<compile_context>
chip_gen: v7x
topology: tpu7x:2x2x1
jax: 0.10.2.dev20260603
libtpu: 0.0.44.dev20260713+nightly
codegen_flags: <defaults>
</compile_context>

<pallas_src>
import functools
import math

import jax
import jax.numpy as jnp
from jax import lax
from jax.experimental import pallas as pl
from jax.experimental.pallas import tpu as pltpu
from jax.experimental.pallas import tpu_sc as plsc

_N = 4096 * 200
_D = 64
_N2 = _N // 2
_DP = 2 * _D
_NW = 32

_CP = 256
_CH = _CP // 2
_PAIRS_W = _N2 // _NW
_NCH = _PAIRS_W // _CP

_sc_mesh = plsc.VectorSubcoreMesh(core_axis_name="c", subcore_axis_name="s")


def _sc_fn(idx2_hbm, x_hbm, table2_hbm, out_hbm, table_sh):

    def inner(idx_va0, idx_va1, idx_va2, idx_vb0, idx_vb1, idx_vb2,
              x_v0, x_v1, x_v2,
              si0, si1, si2, sx0, sx1, sx2, so0, so1, so2, sg, sg2):
        sid = lax.axis_index("s")
        wid = sid * 2 + lax.axis_index("c")
        pbase = wid * _PAIRS_W
        idx_va = (idx_va0, idx_va1, idx_va2)
        idx_vb = (idx_vb0, idx_vb1, idx_vb2)
        x_v = (x_v0, x_v1, x_v2)
        si = (si0, si1, si2)
        sx = (sx0, sx1, sx2)
        so = (so0, so1, so2)

        @pl.when(sid == 0)
        def _load_table():
            pltpu.sync_copy(table2_hbm, table_sh)

        plsc.subcore_barrier()

        def load_idx(q, m):
            pltpu.async_copy(idx2_hbm.at[pl.ds(q, _CH)], idx_va[m], si[m])
            pltpu.async_copy(
                idx2_hbm.at[pl.ds(q + _CH, _CH)], idx_vb[m], si[m])

        def wait_idx(q, m):
            pltpu.make_async_copy(
                idx2_hbm.at[pl.ds(q, _CH)], idx_va[m], si[m]).wait()
            pltpu.make_async_copy(
                idx2_hbm.at[pl.ds(q + _CH, _CH)], idx_vb[m], si[m]).wait()

        for j in range(3):
            q = pbase + j * _CP
            load_idx(q, j)
            pltpu.async_copy(x_hbm.at[pl.ds(q, _CP)], x_v[j], sx[j])

        def chunk(h3, carry):
            for m in range(3):
                h = 3 * h3 + m

                @pl.when(h < _NCH)
                def _do():
                    q0 = pbase + h * _CP
                    wait_idx(q0, m)
                    pltpu.make_async_copy(
                        x_hbm.at[pl.ds(q0, _CP)], x_v[m], sx[m]).wait()
                    pltpu.async_copy(
                        table_sh.at[idx_va[m]],
                        x_v[m].at[pl.ds(0, _CH)], sg, add=True)
                    pltpu.async_copy(
                        table_sh.at[idx_vb[m]],
                        x_v[m].at[pl.ds(_CH, _CH)], sg2, add=True)
                    pltpu.make_async_copy(
                        table_sh.at[idx_va[m]],
                        x_v[m].at[pl.ds(0, _CH)], sg).wait()
                    pltpu.make_async_copy(
                        table_sh.at[idx_vb[m]],
                        x_v[m].at[pl.ds(_CH, _CH)], sg2).wait()
                    pltpu.async_copy(
                        x_v[m], out_hbm.at[pl.ds(q0, _CP)], so[m])

                    @pl.when(h + 3 < _NCH)
                    def _prefetch_idx():
                        load_idx(q0 + 3 * _CP, m)

                    mp = (m + 2) % 3
                    h2 = h + 2

                    @pl.when((h2 >= 3) & (h2 < _NCH))
                    def _prefetch_x():
                        q2 = pbase + h2 * _CP
                        pltpu.make_async_copy(
                            x_v[mp],
                            out_hbm.at[pl.ds(q2 - 3 * _CP, _CP)],
                            so[mp]).wait()
                        pltpu.async_copy(
                            x_hbm.at[pl.ds(q2, _CP)], x_v[mp], sx[mp])

            return carry

        lax.fori_loop(0, (_NCH + 2) // 3, chunk, 0)

        for m in range(3):
            pltpu.make_async_copy(
                x_v[m], out_hbm.at[pl.ds(pbase, _CP)], so[m]).wait()

    pl.run_scoped(
        inner,
        *([pltpu.VMEM((_CH,), jnp.int32)] * 6),
        *([pltpu.VMEM((_CP, _DP), jnp.float32)] * 3),
        *([pltpu.SemaphoreType.DMA] * 11),
    )


_sc_call = pl.kernel(
    _sc_fn,
    mesh=_sc_mesh,
    out_type=jax.ShapeDtypeStruct((_N2, _DP), jnp.float32),
    scratch_types=[pltpu.VMEM_SHARED((1024, _DP), jnp.float32)],
)


def kernel(inputs, x, table):
    B, S, D = x.shape
    idx1 = inputs.reshape(B * S)
    idx2 = idx1[0::2] * 32 + idx1[1::2]
    x2 = x.reshape(_N2, _DP)
    table2 = jnp.concatenate(
        [jnp.repeat(table, 32, axis=0), jnp.tile(table, (32, 1))], axis=1)
    out2 = _sc_call(idx2, x2, table2)
    return out2.reshape(B, S, D)

# --- scband reference (transcript-rebuilt; emitter-appended) ---
"""Pipeline reference for scband-learnable-frequency-encoder-84834194031153 (READ-ONLY COPY).

The authoritative reference and input builder live on the scoring server;
editing this copy changes nothing except your own understanding.
"""

import jax, jax.numpy as jnp
import numpy as np

NUM_EMB = 32  # len(boundaries) + 2 = 30 + 2
DIM = 64
BATCH = 4096
SEQ = 200


def setup_inputs(seed: int = 0) -> dict:
    key = jax.random.key(seed)
    k1, k2, k3 = jax.random.split(key, 3)
    inputs = jax.random.randint(k1, (BATCH, SEQ), 0, NUM_EMB, dtype=jnp.int64 if jax.config.jax_enable_x64 else jnp.int32)
    x = jax.random.normal(k2, (BATCH, SEQ, DIM), dtype=jnp.float32)
    # xavier_uniform init for the embedding table (fan_in=NUM_EMB, fan_out=DIM)
    bound = float(np.sqrt(6.0 / (NUM_EMB + DIM)))
    table = jax.random.uniform(k3, (NUM_EMB, DIM), minval=-bound, maxval=bound, dtype=jnp.float32)
    return {"inputs": inputs, "x": x, "table": table}


def reference(inputs, x, table):
    # frequency_embedding(inputs) -> gather rows of table
    boundary_emb = jnp.take(table, inputs, axis=0)  # [B, S, dim]
    output = x + boundary_emb
    return output

if __name__ == "__main__":
    import jax
    _d = setup_inputs()
    print(jax.jit(kernel)(*tuple(_d.values())))

</pallas_src>

<mosaic_0001>
#map = affine_map<(d0, d1) -> (0)>
#map1 = affine_map<(d0, d1) -> (0, 0)>
module attributes {stable_mosaic.version = 14 : i64} {
  func.func @_sc_fn(%arg0: i32, %arg1: i32, %arg2: memref<409600xi32, #tpu.memory_space<hbm>>, %arg3: memref<409600x128xf32, #tpu.memory_space<hbm>>, %arg4: memref<1024x128xf32, #tpu.memory_space<hbm>>, %arg5: memref<409600x128xf32, #tpu.memory_space<hbm>>, %arg6: memref<1024x128xf32, #tpu.memory_space<vmem_shared>>) attributes {dimension_semantics = [#tpu.dimension_semantics<core_parallel>, #tpu.dimension_semantics<subcore_parallel>], iteration_bounds = array<i64: 2, 16>, scalar_prefetch = 0 : i64, scratch_operands = 1 : i64, tpu.core_type = #tpu.core_type<sc_vector_subcore>, window_params = [{transform_indices = #map}, {transform_indices = #map1}, {transform_indices = #map1}, {transform_indices = #map1}]} {
    "tpu.region"() ({
      %run_scoped3A = memref.alloca() : memref<128xi32, #tpu.memory_space<vmem>>
      %run_scoped3A_0 = memref.alloca() : memref<128xi32, #tpu.memory_space<vmem>>
      %run_scoped3A_1 = memref.alloca() : memref<128xi32, #tpu.memory_space<vmem>>
      %run_scoped3A_2 = memref.alloca() : memref<128xi32, #tpu.memory_space<vmem>>
      %run_scoped3A_3 = memref.alloca() : memref<128xi32, #tpu.memory_space<vmem>>
      %run_scoped3A_4 = memref.alloca() : memref<128xi32, #tpu.memory_space<vmem>>
      %run_scoped3A_5 = memref.alloca() : memref<256x128xf32, #tpu.memory_space<vmem>>
      %run_scoped3A_6 = memref.alloca() : memref<256x128xf32, #tpu.memory_space<vmem>>
      %run_scoped3A_7 = memref.alloca() : memref<256x128xf32, #tpu.memory_space<vmem>>
      %run_scoped3A_8 = tpu.sem_alloc : memref<!tpu.dma_semaphore, #tpu.memory_space<semaphore_mem>>
      %run_scoped3A_9 = tpu.sem_alloc : memref<!tpu.dma_semaphore, #tpu.memory_space<semaphore_mem>>
      %run_scoped3A_10 = tpu.sem_alloc : memref<!tpu.dma_semaphore, #tpu.memory_space<semaphore_mem>>
      %run_scoped3A_11 = tpu.sem_alloc : memref<!tpu.dma_semaphore, #tpu.memory_space<semaphore_mem>>
      %run_scoped3A_12 = tpu.sem_alloc : memref<!tpu.dma_semaphore, #tpu.memory_space<semaphore_mem>>
      %run_scoped3A_13 = tpu.sem_alloc : memref<!tpu.dma_semaphore, #tpu.memory_space<semaphore_mem>>
      %run_scoped3A_14 = tpu.sem_alloc : memref<!tpu.dma_semaphore, #tpu.memory_space<semaphore_mem>>
      %run_scoped3A_15 = tpu.sem_alloc : memref<!tpu.dma_semaphore, #tpu.memory_space<semaphore_mem>>
      %run_scoped3A_16 = tpu.sem_alloc : memref<!tpu.dma_semaphore, #tpu.memory_space<semaphore_mem>>
      %run_scoped3A_17 = tpu.sem_alloc : memref<!tpu.dma_semaphore, #tpu.memory_space<semaphore_mem>>
      %run_scoped3A_18 = tpu.sem_alloc : memref<!tpu.dma_semaphore, #tpu.memory_space<semaphore_mem>>
      %mul3A = arith.constant 2 : i32
      %mul3A_19 = arith.muli %arg1, %mul3A : i32
      %add3A = arith.addi %mul3A_19, %arg0 : i32
      %mul3A_20 = arith.constant 12800 : i32
      %mul3A_21 = arith.muli %add3A, %mul3A_20 : i32
      %eq3A = arith.constant 0 : i32
      %eq3A_22 = arith.cmpi eq, %arg1, %eq3A : i32
      %convert_element_type3A = arith.extui %eq3A_22 : i1 to i32
      %cond3A = arith.constant 0 : i32
      %cond3A_23 = arith.cmpi ne, %convert_element_type3A, %cond3A : i32
      scf.if %cond3A_23 {
        "tpu.region"() ({
          %run_scoped3A_75 = tpu.sem_alloc : memref<!tpu.dma_semaphore, #tpu.memory_space<semaphore_mem>>
          tpu.enqueue_dma source(%arg4 : memref<1024x128xf32, #tpu.memory_space<hbm>>) target(%arg6 : memref<1024x128xf32, #tpu.memory_space<vmem_shared>>) target_semaphore(%run_scoped3A_75 : memref<!tpu.dma_semaphore, #tpu.memory_space<semaphore_mem>>)
          tpu.wait_dma2 semaphore(%run_scoped3A_75 : memref<!tpu.dma_semaphore, #tpu.memory_space<semaphore_mem>>) src(%arg4 : memref<1024x128xf32, #tpu.memory_space<hbm>>) dst(%arg6 : memref<1024x128xf32, #tpu.memory_space<vmem_shared>>)
          tpu.yield
        }) : () -> ()
      } else {
      }
      %barrier3A = arith.constant 0 : index
      tpu.barrier barrier_id(%barrier3A)
      %add3A_24 = arith.constant 0 : i32
      %add3A_25 = arith.addi %mul3A_21, %add3A_24 : i32
      %dma_start3A = tpu.memref_slice %arg2[%add3A_25] : memref<409600xi32, #tpu.memory_space<hbm>> -> memref<128xi32, #tpu.memory_space<hbm>>
      %dma_start3A_26 = tpu.memref_slice %arg2[%add3A_25] : memref<409600xi32, #tpu.memory_space<hbm>> -> memref<128xi32, #tpu.memory_space<hbm>>
      tpu.enqueue_dma source(%dma_start3A_26 : memref<128xi32, #tpu.memory_space<hbm>>) target(%run_scoped3A : memref<128xi32, #tpu.memory_space<vmem>>) target_semaphore(%run_scoped3A_8 : memref<!tpu.dma_semaphore, #tpu.memory_space<semaphore_mem>>)
      %add3A_27 = arith.constant 128 : i32
      %add3A_28 = arith.addi %add3A_25, %add3A_27 : i32
      %dma_start3A_29 = tpu.memref_slice %arg2[%add3A_28] : memref<409600xi32, #tpu.memory_space<hbm>> -> memref<128xi32, #tpu.memory_space<hbm>>
      %dma_start3A_30 = tpu.memref_slice %arg2[%add3A_28] : memref<409600xi32, #tpu.memory_space<hbm>> -> memref<128xi32, #tpu.memory_space<hbm>>
      tpu.enqueue_dma source(%dma_start3A_30 : memref<128xi32, #tpu.memory_space<hbm>>) target(%run_scoped3A_2 : memref<128xi32, #tpu.memory_space<vmem>>) target_semaphore(%run_scoped3A_8 : memref<!tpu.dma_semaphore, #tpu.memory_space<semaphore_mem>>)
      %dma_start3A_31 = arith.constant 0 : i32
      %dma_start3A_32 = tpu.memref_slice %arg3[%add3A_25, %dma_start3A_31] : memref<409600x128xf32, #tpu.memory_space<hbm>> -> memref<256x128xf32, #tpu.memory_space<hbm>>
      %dma_start3A_33 = arith.constant 0 : i32
      %dma_start3A_34 = tpu.memref_slice %arg3[%add3A_25, %dma_start3A_33] : memref<409600x128xf32, #tpu.memory_space<hbm>> -> memref<256x128xf32, #tpu.memory_space<hbm>>
      tpu.enqueue_dma source(%dma_start3A_34 : memref<256x128xf32, #tpu.memory_space<hbm>>) target(%run_scoped3A_5 : memref<256x128xf32, #tpu.memory_space<vmem>>) target_semaphore(%run_scoped3A_11 : memref<!tpu.dma_semaphore, #tpu.memory_space<semaphore_mem>>)
      %add3A_35 = arith.constant 256 : i32
      %add3A_36 = arith.addi %mul3A_21, %add3A_35 : i32
      %dma_start3A_37 = tpu.memref_slice %arg2[%add3A_36] : memref<409600xi32, #tpu.memory_space<hbm>> -> memref<128xi32, #tpu.memory_space<hbm>>
      %dma_start3A_38 = tpu.memref_slice %arg2[%add3A_36] : memref<409600xi32, #tpu.memory_space<hbm>> -> memref<128xi32, #tpu.memory_space<hbm>>
      tpu.enqueue_dma source(%dma_start3A_38 : memref<128xi32, #tpu.memory_space<hbm>>) target(%run_scoped3A_0 : memref<128xi32, #tpu.memory_space<vmem>>) target_semaphore(%run_scoped3A_9 : memref<!tpu.dma_semaphore, #tpu.memory_space<semaphore_mem>>)
      %add3A_39 = arith.constant 128 : i32
      %add3A_40 = arith.addi %add3A_36, %add3A_39 : i32
      %dma_start3A_41 = tpu.memref_slice %arg2[%add3A_40] : memref<409600xi32, #tpu.memory_space<hbm>> -> memref<128xi32, #tpu.memory_space<hbm>>
      %dma_start3A_42 = tpu.memref_slice %arg2[%add3A_40] : memref<409600xi32, #tpu.memory_space<hbm>> -> memref<128xi32, #tpu.memory_space<hbm>>
      tpu.enqueue_dma source(%dma_start3A_42 : memref<128xi32, #tpu.memory_space<hbm>>) target(%run_scoped3A_3 : memref<128xi32, #tpu.memory_space<vmem>>) target_semaphore(%run_scoped3A_9 : memref<!tpu.dma_semaphore, #tpu.memory_space<semaphore_mem>>)
      %dma_start3A_43 = arith.constant 0 : i32
      %dma_start3A_44 = tpu.memref_slice %arg3[%add3A_36, %dma_start3A_43] : memref<409600x128xf32, #tpu.memory_space<hbm>> -> memref<256x128xf32, #tpu.memory_space<hbm>>
      %dma_start3A_45 = arith.constant 0 : i32
      %dma_start3A_46 = tpu.memref_slice %arg3[%add3A_36, %dma_start3A_45] : memref<409600x128xf32, #tpu.memory_space<hbm>> -> memref<256x128xf32, #tpu.memory_space<hbm>>
      tpu.enqueue_dma source(%dma_start3A_46 : memref<256x128xf32, #tpu.memory_space<hbm>>) target(%run_scoped3A_6 : memref<256x128xf32, #tpu.memory_space<vmem>>) target_semaphore(%run_scoped3A_12 : memref<!tpu.dma_semaphore, #tpu.memory_space<semaphore_mem>>)
      %add3A_47 = arith.constant 512 : i32
      %add3A_48 = arith.addi %mul3A_21, %add3A_47 : i32
      %dma_start3A_49 = tpu.memref_slice %arg2[%add3A_48] : memref<409600xi32, #tpu.memory_space<hbm>> -> memref<128xi32, #tpu.memory_space<hbm>>
      %dma_start3A_50 = tpu.memref_slice %arg2[%add3A_48] : memref<409600xi32, #tpu.memory_space<hbm>> -> memref<128xi32, #tpu.memory_space<hbm>>
      tpu.enqueue_dma source(%dma_start3A_50 : memref<128xi32, #tpu.memory_space<hbm>>) target(%run_scoped3A_1 : memref<128xi32, #tpu.memory_space<vmem>>) target_semaphore(%run_scoped3A_10 : memref<!tpu.dma_semaphore, #tpu.memory_space<semaphore_mem>>)
      %add3A_51 = arith.constant 128 : i32
      %add3A_52 = arith.addi %add3A_48, %add3A_51 : i32
      %dma_start3A_53 = tpu.memref_slice %arg2[%add3A_52] : memref<409600xi32, #tpu.memory_space<hbm>> -> memref<128xi32, #tpu.memory_space<hbm>>
      %dma_start3A_54 = tpu.memref_slice %arg2[%add3A_52] : memref<409600xi32, #tpu.memory_space<hbm>> -> memref<128xi32, #tpu.memory_space<hbm>>
      tpu.enqueue_dma source(%dma_start3A_54 : memref<128xi32, #tpu.memory_space<hbm>>) target(%run_scoped3A_4 : memref<128xi32, #tpu.memory_space<vmem>>) target_semaphore(%run_scoped3A_10 : memref<!tpu.dma_semaphore, #tpu.memory_space<semaphore_mem>>)
      %dma_start3A_55 = arith.constant 0 : i32
      %dma_start3A_56 = tpu.memref_slice %arg3[%add3A_48, %dma_start3A_55] : memref<409600x128xf32, #tpu.memory_space<hbm>> -> memref<256x128xf32, #tpu.memory_space<hbm>>
      %dma_start3A_57 = arith.constant 0 : i32
      %dma_start3A_58 = tpu.memref_slice %arg3[%add3A_48, %dma_start3A_57] : memref<409600x128xf32, #tpu.memory_space<hbm>> -> memref<256x128xf32, #tpu.memory_space<hbm>>
      tpu.enqueue_dma source(%dma_start3A_58 : memref<256x128xf32, #tpu.memory_space<hbm>>) target(%run_scoped3A_7 : memref<256x128xf32, #tpu.memory_space<vmem>>) target_semaphore(%run_scoped3A_13 : memref<!tpu.dma_semaphore, #tpu.memory_space<semaphore_mem>>)
      %scan3A = arith.constant 0 : i32
      %scan3A_59 = arith.constant 0 : i32
      %scan3A_60 = arith.constant 17 : i32
      %scan3A_61 = arith.addi %scan3A_59, %scan3A_60 : i32
      %scan3A_62 = arith.constant 1 : i32
      scf.for %scan3A_75 = %scan3A_59 to %scan3A_61 step %scan3A_62  : i32 {
        %mul3A_76 = arith.constant 3 : i32
        %mul3A_77 = arith.muli %mul3A_76, %scan3A_75 : i32
        %add3A_78 = arith.constant 0 : i32
        %add3A_79 = arith.addi %mul3A_77, %add3A_78 : i32
        %lt3A = arith.constant 50 : i32
        %lt3A_80 = arith.cmpi slt, %add3A_79, %lt3A : i32
        %convert_element_type3A_81 = arith.extui %lt3A_80 : i1 to i32
        %cond3A_82 = arith.constant 0 : i32
        %cond3A_83 = arith.cmpi ne, %convert_element_type3A_81, %cond3A_82 : i32
        scf.if %cond3A_83 {
          %mul3A_102 = arith.constant 256 : i32
          %mul3A_103 = arith.muli %add3A_79, %mul3A_102 : i32
          %add3A_104 = arith.addi %mul3A_21, %mul3A_103 : i32
          %dma_wait3A_105 = tpu.memref_slice %arg2[%add3A_104] : memref<409600xi32, #tpu.memory_space<hbm>> -> memref<128xi32, #tpu.memory_space<hbm>>
          %dma_wait3A_106 = tpu.memref_slice %arg2[%add3A_104] : memref<409600xi32, #tpu.memory_space<hbm>> -> memref<128xi32, #tpu.memory_space<hbm>>
          tpu.wait_dma2 semaphore(%run_scoped3A_8 : memref<!tpu.dma_semaphore, #tpu.memory_space<semaphore_mem>>) src(%dma_wait3A_106 : memref<128xi32, #tpu.memory_space<hbm>>) dst(%run_scoped3A : memref<128xi32, #tpu.memory_space<vmem>>)
          %add3A_107 = arith.constant 128 : i32
          %add3A_108 = arith.addi %add3A_104, %add3A_107 : i32
          %dma_wait3A_109 = tpu.memref_slice %arg2[%add3A_108] : memref<409600xi32, #tpu.memory_space<hbm>> -> memref<128xi32, #tpu.memory_space<hbm>>
          %dma_wait3A_110 = tpu.memref_slice %arg2[%add3A_108] : memref<409600xi32, #tpu.memory_space<hbm>> -> memref<128xi32, #tpu.memory_space<hbm>>
          tpu.wait_dma2 semaphore(%run_scoped3A_8 : memref<!tpu.dma_semaphore, #tpu.memory_space<semaphore_mem>>) src(%dma_wait3A_110 : memref<128xi32, #tpu.memory_space<hbm>>) dst(%run_scoped3A_2 : memref<128xi32, #tpu.memory_space<vmem>>)
          %dma_wait3A_111 = arith.constant 0 : i32
          %dma_wait3A_112 = tpu.memref_slice %arg3[%add3A_104, %dma_wait3A_111] : memref<409600x128xf32, #tpu.memory_space<hbm>> -> memref<256x128xf32, #tpu.memory_space<hbm>>
          %dma_wait3A_113 = arith.constant 0 : i32
          %dma_wait3A_114 = tpu.memref_slice %arg3[%add3A_104, %dma_wait3A_113] : memref<409600x128xf32, #tpu.memory_space<hbm>> -> memref<256x128xf32, #tpu.memory_space<hbm>>
          tpu.wait_dma2 semaphore(%run_scoped3A_11 : memref<!tpu.dma_semaphore, #tpu.memory_space<semaphore_mem>>) src(%dma_wait3A_114 : memref<256x128xf32, #tpu.memory_space<hbm>>) dst(%run_scoped3A_5 : memref<256x128xf32, #tpu.memory_space<vmem>>)
          %dma_start3A_115 = arith.constant 0 : i32
          %dma_start3A_116 = arith.constant 0 : i32
          %dma_start3A_117 = tpu.memref_slice %run_scoped3A_5[%dma_start3A_115, %dma_start3A_116] : memref<256x128xf32, #tpu.memory_space<vmem>> -> memref<128x128xf32, #tpu.memory_space<vmem>>
          %dma_start3A_118 = arith.constant 0 : i32
          %dma_start3A_119 = arith.constant 0 : i32
          %dma_start3A_120 = tpu.memref_slice %arg6[%dma_start3A_118, %dma_start3A_119] : memref<1024x128xf32, #tpu.memory_space<vmem_shared>> -> memref<1024x128xf32, #tpu.memory_space<vmem_shared>>
          tpu.enqueue_indirect_dma source(%dma_start3A_120 : memref<1024x128xf32, #tpu.memory_space<vmem_shared>>) target(%dma_start3A_117 : memref<128x128xf32, #tpu.memory_space<vmem>>) offsets(%run_scoped3A : memref<128xi32, #tpu.memory_space<vmem>>) semaphore(%run_scoped3A_17 : memref<!tpu.dma_semaphore, #tpu.memory_space<semaphore_mem>>) {add = true}
          %dma_start3A_121 = arith.constant 128 : i32
          %dma_start3A_122 = arith.constant 0 : i32
          %dma_start3A_123 = tpu.memref_slice %run_scoped3A_5[%dma_start3A_121, %dma_start3A_122] : memref<256x128xf32, #tpu.memory_space<vmem>> -> memref<128x128xf32, #tpu.memory_space<vmem>>
          %dma_start3A_124 = arith.constant 0 : i32
          %dma_start3A_125 = arith.constant 0 : i32
          %dma_start3A_126 = tpu.memref_slice %arg6[%dma_start3A_124, %dma_start3A_125] : memref<1024x128xf32, #tpu.memory_space<vmem_shared>> -> memref<1024x128xf32, #tpu.memory_space<vmem_shared>>
          tpu.enqueue_indirect_dma source(%dma_start3A_126 : memref<1024x128xf32, #tpu.memory_space<vmem_shared>>) target(%dma_start3A_123 : memref<128x128xf32, #tpu.memory_space<vmem>>) offsets(%run_scoped3A_2 : memref<128xi32, #tpu.memory_space<vmem>>) semaphore(%run_scoped3A_18 : memref<!tpu.dma_semaphore, #tpu.memory_space<semaphore_mem>>) {add = true}
          %dma_wait3A_127 = arith.constant 0 : i32
          %dma_wait3A_128 = arith.constant 0 : i32
          %dma_wait3A_129 = tpu.memref_slice %run_scoped3A_5[%dma_wait3A_127, %dma_wait3A_128] : memref<256x128xf32, #tpu.memory_space<vmem>> -> memref<128x128xf32, #tpu.memory_space<vmem>>
          %dma_wait3A_130 = arith.constant 0 : i32
          %dma_wait3A_131 = arith.constant 0 : i32
          %dma_wait3A_132 = tpu.memref_slice %arg6[%dma_wait3A_130, %dma_wait3A_131] : memref<1024x128xf32, #tpu.memory_space<vmem_shared>> -> memref<1024x128xf32, #tpu.memory_space<vmem_shared>>
          tpu.wait_indirect_dma semaphore(%run_scoped3A_17 : memref<!tpu.dma_semaphore, #tpu.memory_space<semaphore_mem>>) src(%dma_wait3A_132 : memref<1024x128xf32, #tpu.memory_space<vmem_shared>>) dst(%dma_wait3A_129 : memref<128x128xf32, #tpu.memory_space<vmem>>)
          %dma_wait3A_133 = arith.constant 128 : i32
          %dma_wait3A_134 = arith.constant 0 : i32
          %dma_wait3A_135 = tpu.memref_slice %run_scoped3A_5[%dma_wait3A_133, %dma_wait3A_134] : memref<256x128xf32, #tpu.memory_space<vmem>> -> memref<128x128xf32, #tpu.memory_space<vmem>>
          %dma_wait3A_136 = arith.constant 0 : i32
          %dma_wait3A_137 = arith.constant 0 : i32
          %dma_wait3A_138 = tpu.memref_slice %arg6[%dma_wait3A_136, %dma_wait3A_137] : memref<1024x128xf32, #tpu.memory_space<vmem_shared>> -> memref<1024x128xf32, #tpu.memory_space<vmem_shared>>
          tpu.wait_indirect_dma semaphore(%run_scoped3A_18 : memref<!tpu.dma_semaphore, #tpu.memory_space<semaphore_mem>>) src(%dma_wait3A_138 : memref<1024x128xf32, #tpu.memory_space<vmem_shared>>) dst(%dma_wait3A_135 : memref<128x128xf32, #tpu.memory_space<vmem>>)
          %dma_start3A_139 = arith.constant 0 : i32
          %dma_start3A_140 = tpu.memref_slice %arg5[%add3A_104, %dma_start3A_139] : memref<409600x128xf32, #tpu.memory_space<hbm>> -> memref<256x128xf32, #tpu.memory_space<hbm>>
          %dma_start3A_141 = arith.constant 0 : i32
          %dma_start3A_142 = tpu.memref_slice %arg5[%add3A_104, %dma_start3A_141] : memref<409600x128xf32, #tpu.memory_space<hbm>> -> memref<256x128xf32, #tpu.memory_space<hbm>>
          tpu.enqueue_dma source(%run_scoped3A_5 : memref<256x128xf32, #tpu.memory_space<vmem>>) target(%dma_start3A_142 : memref<256x128xf32, #tpu.memory_space<hbm>>) target_semaphore(%run_scoped3A_14 : memref<!tpu.dma_semaphore, #tpu.memory_space<semaphore_mem>>)
          %add3A_143 = arith.constant 3 : i32
          %add3A_144 = arith.addi %add3A_79, %add3A_143 : i32
          %lt3A_145 = arith.constant 50 : i32
          %lt3A_146 = arith.cmpi slt, %add3A_144, %lt3A_145 : i32
          %convert_element_type3A_147 = arith.extui %lt3A_146 : i1 to i32
          %cond3A_148 = arith.constant 0 : i32
          %cond3A_149 = arith.cmpi ne, %convert_element_type3A_147, %cond3A_148 : i32
          scf.if %cond3A_149 {
            %add3A_158 = arith.constant 768 : i32
            %add3A_159 = arith.addi %add3A_104, %add3A_158 : i32
            %dma_start3A_160 = tpu.memref_slice %arg2[%add3A_159] : memref<409600xi32, #tpu.memory_space<hbm>> -> memref<128xi32, #tpu.memory_space<hbm>>
            %dma_start3A_161 = tpu.memref_slice %arg2[%add3A_159] : memref<409600xi32, #tpu.memory_space<hbm>> -> memref<128xi32, #tpu.memory_space<hbm>>
            tpu.enqueue_dma source(%dma_start3A_161 : memref<128xi32, #tpu.memory_space<hbm>>) target(%run_scoped3A : memref<128xi32, #tpu.memory_space<vmem>>) target_semaphore(%run_scoped3A_8 : memref<!tpu.dma_semaphore, #tpu.memory_space<semaphore_mem>>)
            %add3A_162 = arith.constant 128 : i32
            %add3A_163 = arith.addi %add3A_159, %add3A_162 : i32
            %dma_start3A_164 = tpu.memref_slice %arg2[%add3A_163] : memref<409600xi32, #tpu.memory_space<hbm>> -> memref<128xi32, #tpu.memory_space<hbm>>
            %dma_start3A_165 = tpu.memref_slice %arg2[%add3A_163] : memref<409600xi32, #tpu.memory_space<hbm>> -> memref<128xi32, #tpu.memory_space<hbm>>
            tpu.enqueue_dma source(%dma_start3A_165 : memref<128xi32, #tpu.memory_space<hbm>>) target(%run_scoped3A_2 : memref<128xi32, #tpu.memory_space<vmem>>) target_semaphore(%run_scoped3A_8 : memref<!tpu.dma_semaphore, #tpu.memory_space<semaphore_mem>>)
          } else {
          }
          %add3A_150 = arith.constant 2 : i32
          %add3A_151 = arith.addi %add3A_79, %add3A_150 : i32
          %ge3A = arith.constant 3 : i32
          %ge3A_152 = arith.cmpi sge, %add3A_151, %ge3A : i32
          %lt3A_153 = arith.constant 50 : i32
          %lt3A_154 = arith.cmpi slt, %add3A_151, %lt3A_153 : i32
          %and3A = arith.andi %ge3A_152, %lt3A_154 : i1
          %convert_element_type3A_155 = arith.extui %and3A : i1 to i32
          %cond3A_156 = arith.constant 0 : i32
          %cond3A_157 = arith.cmpi ne, %convert_element_type3A_155, %cond3A_156 : i32
          scf.if %cond3A_157 {
            %mul3A_158 = arith.constant 256 : i32
            %mul3A_159 = arith.muli %add3A_151, %mul3A_158 : i32
            %add3A_160 = arith.addi %mul3A_21, %mul3A_159 : i32
            %sub3A = arith.constant 768 : i32
            %sub3A_161 = arith.subi %add3A_160, %sub3A : i32
            %dma_wait3A_162 = arith.constant 0 : i32
            %dma_wait3A_163 = tpu.memref_slice %arg5[%sub3A_161, %dma_wait3A_162] : memref<409600x128xf32, #tpu.memory_space<hbm>> -> memref<256x128xf32, #tpu.memory_space<hbm>>
            %dma_wait3A_164 = arith.constant 0 : i32
            %dma_wait3A_165 = tpu.memref_slice %arg5[%sub3A_161, %dma_wait3A_164] : memref<409600x128xf32, #tpu.memory_space<hbm>> -> memref<256x128xf32, #tpu.memory_space<hbm>>
            tpu.wait_dma2 semaphore(%run_scoped3A_16 : memref<!tpu.dma_semaphore, #tpu.memory_space<semaphore_mem>>) src(%run_scoped3A_7 : memref<256x128xf32, #tpu.memory_space<vmem>>) dst(%dma_wait3A_165 : memref<256x128xf32, #tpu.memory_space<hbm>>)
            %dma_start3A_166 = arith.constant 0 : i32
            %dma_start3A_167 = tpu.memref_slice %arg3[%add3A_160, %dma_start3A_166] : memref<409600x128xf32, #tpu.memory_space<hbm>> -> memref<256x128xf32, #tpu.memory_space<hbm>>
            %dma_start3A_168 = arith.constant 0 : i32
            %dma_start3A_169 = tpu.memref_slice %arg3[%add3A_160, %dma_start3A_168] : memref<409600x128xf32, #tpu.memory_space<hbm>> -> memref<256x128xf32, #tpu.memory_space<hbm>>
            tpu.enqueue_dma source(%dma_start3A_169 : memref<256x128xf32, #tpu.memory_space<hbm>>) target(%run_scoped3A_7 : memref<256x128xf32, #tpu.memory_space<vmem>>) target_semaphore(%run_scoped3A_13 : memref<!tpu.dma_semaphore, #tpu.memory_space<semaphore_mem>>)
          } else {
          }
        } else {
        }
        %mul3A_84 = arith.constant 3 : i32
        %mul3A_85 = arith.muli %mul3A_84, %scan3A_75 : i32
        %add3A_86 = arith.constant 1 : i32
        %add3A_87 = arith.addi %mul3A_85, %add3A_86 : i32
        %lt3A_88 = arith.constant 50 : i32
        %lt3A_89 = arith.cmpi slt, %add3A_87, %lt3A_88 : i32
        %convert_element_type3A_90 = arith.extui %lt3A_89 : i1 to i32
        %cond3A_91 = arith.constant 0 : i32
        %cond3A_92 = arith.cmpi ne, %convert_element_type3A_90, %cond3A_91 : i32
        scf.if %cond3A_92 {
          %mul3A_102 = arith.constant 256 : i32
          %mul3A_103 = arith.muli %add3A_87, %mul3A_102 : i32
          %add3A_104 = arith.addi %mul3A_21, %mul3A_103 : i32
          %dma_wait3A_105 = tpu.memref_slice %arg2[%add3A_104] : memref<409600xi32, #tpu.memory_space<hbm>> -> memref<128xi32, #tpu.memory_space<hbm>>
          %dma_wait3A_106 = tpu.memref_slice %arg2[%add3A_104] : memref<409600xi32, #tpu.memory_space<hbm>> -> memref<128xi32, #tpu.memory_space<hbm>>
          tpu.wait_dma2 semaphore(%run_scoped3A_9 : memref<!tpu.dma_semaphore, #tpu.memory_space<semaphore_mem>>) src(%dma_wait3A_106 : memref<128xi32, #tpu.memory_space<hbm>>) dst(%run_scoped3A_0 : memref<128xi32, #tpu.memory_space<vmem>>)
          %add3A_107 = arith.constant 128 : i32
          %add3A_108 = arith.addi %add3A_104, %add3A_107 : i32
          %dma_wait3A_109 = tpu.memref_slice %arg2[%add3A_108] : memref<409600xi32, #tpu.memory_space<hbm>> -> memref<128xi32, #tpu.memory_space<hbm>>
          %dma_wait3A_110 = tpu.memref_slice %arg2[%add3A_108] : memref<409600xi32, #tpu.memory_space<hbm>> -> memref<128xi32, #tpu.memory_space<hbm>>
          tpu.wait_dma2 semaphore(%run_scoped3A_9 : memref<!tpu.dma_semaphore, #tpu.memory_space<semaphore_mem>>) src(%dma_wait3A_110 : memref<128xi32, #tpu.memory_space<hbm>>) dst(%run_scoped3A_3 : memref<128xi32, #tpu.memory_space<vmem>>)
          %dma_wait3A_111 = arith.constant 0 : i32
          %dma_wait3A_112 = tpu.memref_slice %arg3[%add3A_104, %dma_wait3A_111] : memref<409600x128xf32, #tpu.memory_space<hbm>> -> memref<256x128xf32, #tpu.memory_space<hbm>>
          %dma_wait3A_113 = arith.constant 0 : i32
          %dma_wait3A_114 = tpu.memref_slice %arg3[%add3A_104, %dma_wait3A_113] : memref<409600x128xf32, #tpu.memory_space<hbm>> -> memref<256x128xf32, #tpu.memory_space<hbm>>
          tpu.wait_dma2 semaphore(%run_scoped3A_12 : memref<!tpu.dma_semaphore, #tpu.memory_space<semaphore_mem>>) src(%dma_wait3A_114 : memref<256x128xf32, #tpu.memory_space<hbm>>) dst(%run_scoped3A_6 : memref<256x128xf32, #tpu.memory_space<vmem>>)
          %dma_start3A_115 = arith.constant 0 : i32
          %dma_start3A_116 = arith.constant 0 : i32
          %dma_start3A_117 = tpu.memref_slice %run_scoped3A_6[%dma_start3A_115, %dma_start3A_116] : memref<256x128xf32, #tpu.memory_space<vmem>> -> memref<128x128xf32, #tpu.memory_space<vmem>>
          %dma_start3A_118 = arith.constant 0 : i32
          %dma_start3A_119 = arith.constant 0 : i32
          %dma_start3A_120 = tpu.memref_slice %arg6[%dma_start3A_118, %dma_start3A_119] : memref<1024x128xf32, #tpu.memory_space<vmem_shared>> -> memref<1024x128xf32, #tpu.memory_space<vmem_shared>>
          tpu.enqueue_indirect_dma source(%dma_start3A_120 : memref<1024x128xf32, #tpu.memory_space<vmem_shared>>) target(%dma_start3A_117 : memref<128x128xf32, #tpu.memory_space<vmem>>) offsets(%run_scoped3A_0 : memref<128xi32, #tpu.memory_space<vmem>>) semaphore(%run_scoped3A_17 : memref<!tpu.dma_semaphore, #tpu.memory_space<semaphore_mem>>) {add = true}
          %dma_start3A_121 = arith.constant 128 : i32
          %dma_start3A_122 = arith.constant 0 : i32
          %dma_start3A_123 = tpu.memref_slice %run_scoped3A_6[%dma_start3A_121, %dma_start3A_122] : memref<256x128xf32, #tpu.memory_space<vmem>> -> memref<128x128xf32, #tpu.memory_space<vmem>>
          %dma_start3A_124 = arith.constant 0 : i32
          %dma_start3A_125 = arith.constant 0 : i32
          %dma_start3A_126 = tpu.memref_slice %arg6[%dma_start3A_124, %dma_start3A_125] : memref<1024x128xf32, #tpu.memory_space<vmem_shared>> -> memref<1024x128xf32, #tpu.memory_space<vmem_shared>>
          tpu.enqueue_indirect_dma source(%dma_start3A_126 : memref<1024x128xf32, #tpu.memory_space<vmem_shared>>) target(%dma_start3A_123 : memref<128x128xf32, #tpu.memory_space<vmem>>) offsets(%run_scoped3A_3 : memref<128xi32, #tpu.memory_space<vmem>>) semaphore(%run_scoped3A_18 : memref<!tpu.dma_semaphore, #tpu.memory_space<semaphore_mem>>) {add = true}
          %dma_wait3A_127 = arith.constant 0 : i32
          %dma_wait3A_128 = arith.constant 0 : i32
          %dma_wait3A_129 = tpu.memref_slice %run_scoped3A_6[%dma_wait3A_127, %dma_wait3A_128] : memref<256x128xf32, #tpu.memory_space<vmem>> -> memref<128x128xf32, #tpu.memory_space<vmem>>
          %dma_wait3A_130 = arith.constant 0 : i32
          %dma_wait3A_131 = arith.constant 0 : i32
          %dma_wait3A_132 = tpu.memref_slice %arg6[%dma_wait3A_130, %dma_wait3A_131] : memref<1024x128xf32, #tpu.memory_space<vmem_shared>> -> memref<1024x128xf32, #tpu.memory_space<vmem_shared>>
          tpu.wait_indirect_dma semaphore(%run_scoped3A_17 : memref<!tpu.dma_semaphore, #tpu.memory_space<semaphore_mem>>) src(%dma_wait3A_132 : memref<1024x128xf32, #tpu.memory_space<vmem_shared>>) dst(%dma_wait3A_129 : memref<128x128xf32, #tpu.memory_space<vmem>>)
          %dma_wait3A_133 = arith.constant 128 : i32
          %dma_wait3A_134 = arith.constant 0 : i32
          %dma_wait3A_135 = tpu.memref_slice %run_scoped3A_6[%dma_wait3A_133, %dma_wait3A_134] : memref<256x128xf32, #tpu.memory_space<vmem>> -> memref<128x128xf32, #tpu.memory_space<vmem>>
          %dma_wait3A_136 = arith.constant 0 : i32
          %dma_wait3A_137 = arith.constant 0 : i32
          %dma_wait3A_138 = tpu.memref_slice %arg6[%dma_wait3A_136, %dma_wait3A_137] : memref<1024x128xf32, #tpu.memory_space<vmem_shared>> -> memref<1024x128xf32, #tpu.memory_space<vmem_shared>>
          tpu.wait_indirect_dma semaphore(%run_scoped3A_18 : memref<!tpu.dma_semaphore, #tpu.memory_space<semaphore_mem>>) src(%dma_wait3A_138 : memref<1024x128xf32, #tpu.memory_space<vmem_shared>>) dst(%dma_wait3A_135 : memref<128x128xf32, #tpu.memory_space<vmem>>)
          %dma_start3A_139 = arith.constant 0 : i32
          %dma_start3A_140 = tpu.memref_slice %arg5[%add3A_104, %dma_start3A_139] : memref<409600x128xf32, #tpu.memory_space<hbm>> -> memref<256x128xf32, #tpu.memory_space<hbm>>
          %dma_start3A_141 = arith.constant 0 : i32
          %dma_start3A_142 = tpu.memref_slice %arg5[%add3A_104, %dma_start3A_141] : memref<409600x128xf32, #tpu.memory_space<hbm>> -> memref<256x128xf32, #tpu.memory_space<hbm>>
          tpu.enqueue_dma source(%run_scoped3A_6 : memref<256x128xf32, #tpu.memory_space<vmem>>) target(%dma_start3A_142 : memref<256x128xf32, #tpu.memory_space<hbm>>) target_semaphore(%run_scoped3A_15 : memref<!tpu.dma_semaphore, #tpu.memory_space<semaphore_mem>>)
          %add3A_143 = arith.constant 3 : i32
          %add3A_144 = arith.addi %add3A_87, %add3A_143 : i32
          %lt3A_145 = arith.constant 50 : i32
          %lt3A_146 = arith.cmpi slt, %add3A_144, %lt3A_145 : i32
          %convert_element_type3A_147 = arith.extui %lt3A_146 : i1 to i32
          %cond3A_148 = arith.constant 0 : i32
          %cond3A_149 = arith.cmpi ne, %convert_element_type3A_147, %cond3A_148 : i32
          scf.if %cond3A_149 {
            %add3A_158 = arith.constant 768 : i32
            %add3A_159 = arith.addi %add3A_104, %add3A_158 : i32
            %dma_start3A_160 = tpu.memref_slice %arg2[%add3A_159] : memref<409600xi32, #tpu.memory_space<hbm>> -> memref<128xi32, #tpu.memory_space<hbm>>
            %dma_start3A_161 = tpu.memref_slice %arg2[%add3A_159] : memref<409600xi32, #tpu.memory_space<hbm>> -> memref<128xi32, #tpu.memory_space<hbm>>
            tpu.enqueue_dma source(%dma_start3A_161 : memref<128xi32, #tpu.memory_space<hbm>>) target(%run_scoped3A_0 : memref<128xi32, #tpu.memory_space<vmem>>) target_semaphore(%run_scoped3A_9 : memref<!tpu.dma_semaphore, #tpu.memory_space<semaphore_mem>>)
            %add3A_162 = arith.constant 128 : i32
            %add3A_163 = arith.addi %add3A_159, %add3A_162 : i32
            %dma_start3A_164 = tpu.memref_slice %arg2[%add3A_163] : memref<409600xi32, #tpu.memory_space<hbm>> -> memref<128xi32, #tpu.memory_space<hbm>>
            %dma_start3A_165 = tpu.memref_slice %arg2[%add3A_163] : memref<409600xi32, #tpu.memory_space<hbm>> -> memref<128xi32, #tpu.memory_space<hbm>>
            tpu.enqueue_dma source(%dma_start3A_165 : memref<128xi32, #tpu.memory_space<hbm>>) target(%run_scoped3A_3 : memref<128xi32, #tpu.memory_space<vmem>>) target_semaphore(%run_scoped3A_9 : memref<!tpu.dma_semaphore, #tpu.memory_space<semaphore_mem>>)
          } else {
          }
          %add3A_150 = arith.constant 2 : i32
          %add3A_151 = arith.addi %add3A_87, %add3A_150 : i32
          %ge3A = arith.constant 3 : i32
          %ge3A_152 = arith.cmpi sge, %add3A_151, %ge3A : i32
          %lt3A_153 = arith.constant 50 : i32
          %lt3A_154 = arith.cmpi slt, %add3A_151, %lt3A_153 : i32
          %and3A = arith.andi %ge3A_152, %lt3A_154 : i1
          %convert_element_type3A_155 = arith.extui %and3A : i1 to i32
          %cond3A_156 = arith.constant 0 : i32
          %cond3A_157 = arith.cmpi ne, %convert_element_type3A_155, %cond3A_156 : i32
          scf.if %cond3A_157 {
            %mul3A_158 = arith.constant 256 : i32
            %mul3A_159 = arith.muli %add3A_151, %mul3A_158 : i32
            %add3A_160 = arith.addi %mul3A_21, %mul3A_159 : i32
            %sub3A = arith.constant 768 : i32
            %sub3A_161 = arith.subi %add3A_160, %sub3A : i32
            %dma_wait3A_162 = arith.constant 0 : i32
            %dma_wait3A_163 = tpu.memref_slice %arg5[%sub3A_161, %dma_wait3A_162] : memref<409600x128xf32, #tpu.memory_space<hbm>> -> memref<256x128xf32, #tpu.memory_space<hbm>>
            %dma_wait3A_164 = arith.constant 0 : i32
            %dma_wait3A_165 = tpu.memref_slice %arg5[%sub3A_161, %dma_wait3A_164] : memref<409600x128xf32, #tpu.memory_space<hbm>> -> memref<256x128xf32, #tpu.memory_space<hbm>>
            tpu.wait_dma2 semaphore(%run_scoped3A_14 : memref<!tpu.dma_semaphore, #tpu.memory_space<semaphore_mem>>) src(%run_scoped3A_5 : memref<256x128xf32, #tpu.memory_space<vmem>>) dst(%dma_wait3A_165 : memref<256x128xf32, #tpu.memory_space<hbm>>)
            %dma_start3A_166 = arith.constant 0 : i32
            %dma_start3A_167 = tpu.memref_slice %arg3[%add3A_160, %dma_start3A_166] : memref<409600x128xf32, #tpu.memory_space<hbm>> -> memref<256x128xf32, #tpu.memory_space<hbm>>
            %dma_start3A_168 = arith.constant 0 : i32
            %dma_start3A_169 = tpu.memref_slice %arg3[%add3A_160, %dma_start3A_168] : memref<409600x128xf32, #tpu.memory_space<hbm>> -> memref<256x128xf32, #tpu.memory_space<hbm>>
            tpu.enqueue_dma source(%dma_start3A_169 : memref<256x128xf32, #tpu.memory_space<hbm>>) target(%run_scoped3A_5 : memref<256x128xf32, #tpu.memory_space<vmem>>) target_semaphore(%run_scoped3A_11 : memref<!tpu.dma_semaphore, #tpu.memory_space<semaphore_mem>>)
          } else {
          }
        } else {
        }
        %mul3A_93 = arith.constant 3 : i32
        %mul3A_94 = arith.muli %mul3A_93, %scan3A_75 : i32
        %add3A_95 = arith.constant 2 : i32
        %add3A_96 = arith.addi %mul3A_94, %add3A_95 : i32
        %lt3A_97 = arith.constant 50 : i32
        %lt3A_98 = arith.cmpi slt, %add3A_96, %lt3A_97 : i32
        %convert_element_type3A_99 = arith.extui %lt3A_98 : i1 to i32
        %cond3A_100 = arith.constant 0 : i32
        %cond3A_101 = arith.cmpi ne, %convert_element_type3A_99, %cond3A_100 : i32
        scf.if %cond3A_101 {
          %mul3A_102 = arith.constant 256 : i32
          %mul3A_103 = arith.muli %add3A_96, %mul3A_102 : i32
          %add3A_104 = arith.addi %mul3A_21, %mul3A_103 : i32
          %dma_wait3A_105 = tpu.memref_slice %arg2[%add3A_104] : memref<409600xi32, #tpu.memory_space<hbm>> -> memref<128xi32, #tpu.memory_space<hbm>>
          %dma_wait3A_106 = tpu.memref_slice %arg2[%add3A_104] : memref<409600xi32, #tpu.memory_space<hbm>> -> memref<128xi32, #tpu.memory_space<hbm>>
          tpu.wait_dma2 semaphore(%run_scoped3A_10 : memref<!tpu.dma_semaphore, #tpu.memory_space<semaphore_mem>>) src(%dma_wait3A_106 : memref<128xi32, #tpu.memory_space<hbm>>) dst(%run_scoped3A_1 : memref<128xi32, #tpu.memory_space<vmem>>)
          %add3A_107 = arith.constant 128 : i32
          %add3A_108 = arith.addi %add3A_104, %add3A_107 : i32
          %dma_wait3A_109 = tpu.memref_slice %arg2[%add3A_108] : memref<409600xi32, #tpu.memory_space<hbm>> -> memref<128xi32, #tpu.memory_space<hbm>>
          %dma_wait3A_110 = tpu.memref_slice %arg2[%add3A_108] : memref<409600xi32, #tpu.memory_space<hbm>> -> memref<128xi32, #tpu.memory_space<hbm>>
          tpu.wait_dma2 semaphore(%run_scoped3A_10 : memref<!tpu.dma_semaphore, #tpu.memory_space<semaphore_mem>>) src(%dma_wait3A_110 : memref<128xi32, #tpu.memory_space<hbm>>) dst(%run_scoped3A_4 : memref<128xi32, #tpu.memory_space<vmem>>)
          %dma_wait3A_111 = arith.constant 0 : i32
          %dma_wait3A_112 = tpu.memref_slice %arg3[%add3A_104, %dma_wait3A_111] : memref<409600x128xf32, #tpu.memory_space<hbm>> -> memref<256x128xf32, #tpu.memory_space<hbm>>
          %dma_wait3A_113 = arith.constant 0 : i32
          %dma_wait3A_114 = tpu.memref_slice %arg3[%add3A_104, %dma_wait3A_113] : memref<409600x128xf32, #tpu.memory_space<hbm>> -> memref<256x128xf32, #tpu.memory_space<hbm>>
          tpu.wait_dma2 semaphore(%run_scoped3A_13 : memref<!tpu.dma_semaphore, #tpu.memory_space<semaphore_mem>>) src(%dma_wait3A_114 : memref<256x128xf32, #tpu.memory_space<hbm>>) dst(%run_scoped3A_7 : memref<256x128xf32, #tpu.memory_space<vmem>>)
          %dma_start3A_115 = arith.constant 0 : i32
          %dma_start3A_116 = arith.constant 0 : i32
          %dma_start3A_117 = tpu.memref_slice %run_scoped3A_7[%dma_start3A_115, %dma_start3A_116] : memref<256x128xf32, #tpu.memory_space<vmem>> -> memref<128x128xf32, #tpu.memory_space<vmem>>
          %dma_start3A_118 = arith.constant 0 : i32
          %dma_start3A_119 = arith.constant 0 : i32
          %dma_start3A_120 = tpu.memref_slice %arg6[%dma_start3A_118, %dma_start3A_119] : memref<1024x128xf32, #tpu.memory_space<vmem_shared>> -> memref<1024x128xf32, #tpu.memory_space<vmem_shared>>
          tpu.enqueue_indirect_dma source(%dma_start3A_120 : memref<1024x128xf32, #tpu.memory_space<vmem_shared>>) target(%dma_start3A_117 : memref<128x128xf32, #tpu.memory_space<vmem>>) offsets(%run_scoped3A_1 : memref<128xi32, #tpu.memory_space<vmem>>) semaphore(%run_scoped3A_17 : memref<!tpu.dma_semaphore, #tpu.memory_space<semaphore_mem>>) {add = true}
          %dma_start3A_121 = arith.constant 128 : i32
          %dma_start3A_122 = arith.constant 0 : i32
          %dma_start3A_123 = tpu.memref_slice %run_scoped3A_7[%dma_start3A_121, %dma_start3A_122] : memref<256x128xf32, #tpu.memory_space<vmem>> -> memref<128x128xf32, #tpu.memory_space<vmem>>
          %dma_start3A_124 = arith.constant 0 : i32
          %dma_start3A_125 = arith.constant 0 : i32
          %dma_start3A_126 = tpu.memref_slice %arg6[%dma_start3A_124, %dma_start3A_125] : memref<1024x128xf32, #tpu.memory_space<vmem_shared>> -> memref<1024x128xf32, #tpu.memory_space<vmem_shared>>
          tpu.enqueue_indirect_dma source(%dma_start3A_126 : memref<1024x128xf32, #tpu.memory_space<vmem_shared>>) target(%dma_start3A_123 : memref<128x128xf32, #tpu.memory_space<vmem>>) offsets(%run_scoped3A_4 : memref<128xi32, #tpu.memory_space<vmem>>) semaphore(%run_scoped3A_18 : memref<!tpu.dma_semaphore, #tpu.memory_space<semaphore_mem>>) {add = true}
          %dma_wait3A_127 = arith.constant 0 : i32
          %dma_wait3A_128 = arith.constant 0 : i32
          %dma_wait3A_129 = tpu.memref_slice %run_scoped3A_7[%dma_wait3A_127, %dma_wait3A_128] : memref<256x128xf32, #tpu.memory_space<vmem>> -> memref<128x128xf32, #tpu.memory_space<vmem>>
          %dma_wait3A_130 = arith.constant 0 : i32
          %dma_wait3A_131 = arith.constant 0 : i32
          %dma_wait3A_132 = tpu.memref_slice %arg6[%dma_wait3A_130, %dma_wait3A_131] : memref<1024x128xf32, #tpu.memory_space<vmem_shared>> -> memref<1024x128xf32, #tpu.memory_space<vmem_shared>>
          tpu.wait_indirect_dma semaphore(%run_scoped3A_17 : memref<!tpu.dma_semaphore, #tpu.memory_space<semaphore_mem>>) src(%dma_wait3A_132 : memref<1024x128xf32, #tpu.memory_space<vmem_shared>>) dst(%dma_wait3A_129 : memref<128x128xf32, #tpu.memory_space<vmem>>)
          %dma_wait3A_133 = arith.constant 128 : i32
          %dma_wait3A_134 = arith.constant 0 : i32
          %dma_wait3A_135 = tpu.memref_slice %run_scoped3A_7[%dma_wait3A_133, %dma_wait3A_134] : memref<256x128xf32, #tpu.memory_space<vmem>> -> memref<128x128xf32, #tpu.memory_space<vmem>>
          %dma_wait3A_136 = arith.constant 0 : i32
          %dma_wait3A_137 = arith.constant 0 : i32
          %dma_wait3A_138 = tpu.memref_slice %arg6[%dma_wait3A_136, %dma_wait3A_137] : memref<1024x128xf32, #tpu.memory_space<vmem_shared>> -> memref<1024x128xf32, #tpu.memory_space<vmem_shared>>
          tpu.wait_indirect_dma semaphore(%run_scoped3A_18 : memref<!tpu.dma_semaphore, #tpu.memory_space<semaphore_mem>>) src(%dma_wait3A_138 : memref<1024x128xf32, #tpu.memory_space<vmem_shared>>) dst(%dma_wait3A_135 : memref<128x128xf32, #tpu.memory_space<vmem>>)
          %dma_start3A_139 = arith.constant 0 : i32
          %dma_start3A_140 = tpu.memref_slice %arg5[%add3A_104, %dma_start3A_139] : memref<409600x128xf32, #tpu.memory_space<hbm>> -> memref<256x128xf32, #tpu.memory_space<hbm>>
          %dma_start3A_141 = arith.constant 0 : i32
          %dma_start3A_142 = tpu.memref_slice %arg5[%add3A_104, %dma_start3A_141] : memref<409600x128xf32, #tpu.memory_space<hbm>> -> memref<256x128xf32, #tpu.memory_space<hbm>>
          tpu.enqueue_dma source(%run_scoped3A_7 : memref<256x128xf32, #tpu.memory_space<vmem>>) target(%dma_start3A_142 : memref<256x128xf32, #tpu.memory_space<hbm>>) target_semaphore(%run_scoped3A_16 : memref<!tpu.dma_semaphore, #tpu.memory_space<semaphore_mem>>)
          %add3A_143 = arith.constant 3 : i32
          %add3A_144 = arith.addi %add3A_96, %add3A_143 : i32
          %lt3A_145 = arith.constant 50 : i32
          %lt3A_146 = arith.cmpi slt, %add3A_144, %lt3A_145 : i32
          %convert_element_type3A_147 = arith.extui %lt3A_146 : i1 to i32
          %cond3A_148 = arith.constant 0 : i32
          %cond3A_149 = arith.cmpi ne, %convert_element_type3A_147, %cond3A_148 : i32
          scf.if %cond3A_149 {
            %add3A_158 = arith.constant 768 : i32
            %add3A_159 = arith.addi %add3A_104, %add3A_158 : i32
            %dma_start3A_160 = tpu.memref_slice %arg2[%add3A_159] : memref<409600xi32, #tpu.memory_space<hbm>> -> memref<128xi32, #tpu.memory_space<hbm>>
            %dma_start3A_161 = tpu.memref_slice %arg2[%add3A_159] : memref<409600xi32, #tpu.memory_space<hbm>> -> memref<128xi32, #tpu.memory_space<hbm>>
            tpu.enqueue_dma source(%dma_start3A_161 : memref<128xi32, #tpu.memory_space<hbm>>) target(%run_scoped3A_1 : memref<128xi32, #tpu.memory_space<vmem>>) target_semaphore(%run_scoped3A_10 : memref<!tpu.dma_semaphore, #tpu.memory_space<semaphore_mem>>)
            %add3A_162 = arith.constant 128 : i32
            %add3A_163 = arith.addi %add3A_159, %add3A_162 : i32
            %dma_start3A_164 = tpu.memref_slice %arg2[%add3A_163] : memref<409600xi32, #tpu.memory_space<hbm>> -> memref<128xi32, #tpu.memory_space<hbm>>
            %dma_start3A_165 = tpu.memref_slice %arg2[%add3A_163] : memref<409600xi32, #tpu.memory_space<hbm>> -> memref<128xi32, #tpu.memory_space<hbm>>
            tpu.enqueue_dma source(%dma_start3A_165 : memref<128xi32, #tpu.memory_space<hbm>>) target(%run_scoped3A_4 : memref<128xi32, #tpu.memory_space<vmem>>) target_semaphore(%run_scoped3A_10 : memref<!tpu.dma_semaphore, #tpu.memory_space<semaphore_mem>>)
          } else {
          }
          %add3A_150 = arith.constant 2 : i32
          %add3A_151 = arith.addi %add3A_96, %add3A_150 : i32
          %ge3A = arith.constant 3 : i32
          %ge3A_152 = arith.cmpi sge, %add3A_151, %ge3A : i32
          %lt3A_153 = arith.constant 50 : i32
          %lt3A_154 = arith.cmpi slt, %add3A_151, %lt3A_153 : i32
          %and3A = arith.andi %ge3A_152, %lt3A_154 : i1
          %convert_element_type3A_155 = arith.extui %and3A : i1 to i32
          %cond3A_156 = arith.constant 0 : i32
          %cond3A_157 = arith.cmpi ne, %convert_element_type3A_155, %cond3A_156 : i32
          scf.if %cond3A_157 {
            %mul3A_158 = arith.constant 256 : i32
            %mul3A_159 = arith.muli %add3A_151, %mul3A_158 : i32
            %add3A_160 = arith.addi %mul3A_21, %mul3A_159 : i32
            %sub3A = arith.constant 768 : i32
            %sub3A_161 = arith.subi %add3A_160, %sub3A : i32
            %dma_wait3A_162 = arith.constant 0 : i32
            %dma_wait3A_163 = tpu.memref_slice %arg5[%sub3A_161, %dma_wait3A_162] : memref<409600x128xf32, #tpu.memory_space<hbm>> -> memref<256x128xf32, #tpu.memory_space<hbm>>
            %dma_wait3A_164 = arith.constant 0 : i32
            %dma_wait3A_165 = tpu.memref_slice %arg5[%sub3A_161, %dma_wait3A_164] : memref<409600x128xf32, #tpu.memory_space<hbm>> -> memref<256x128xf32, #tpu.memory_space<hbm>>
            tpu.wait_dma2 semaphore(%run_scoped3A_15 : memref<!tpu.dma_semaphore, #tpu.memory_space<semaphore_mem>>) src(%run_scoped3A_6 : memref<256x128xf32, #tpu.memory_space<vmem>>) dst(%dma_wait3A_165 : memref<256x128xf32, #tpu.memory_space<hbm>>)
            %dma_start3A_166 = arith.constant 0 : i32
            %dma_start3A_167 = tpu.memref_slice %arg3[%add3A_160, %dma_start3A_166] : memref<409600x128xf32, #tpu.memory_space<hbm>> -> memref<256x128xf32, #tpu.memory_space<hbm>>
            %dma_start3A_168 = arith.constant 0 : i32
            %dma_start3A_169 = tpu.memref_slice %arg3[%add3A_160, %dma_start3A_168] : memref<409600x128xf32, #tpu.memory_space<hbm>> -> memref<256x128xf32, #tpu.memory_space<hbm>>
            tpu.enqueue_dma source(%dma_start3A_169 : memref<256x128xf32, #tpu.memory_space<hbm>>) target(%run_scoped3A_6 : memref<256x128xf32, #tpu.memory_space<vmem>>) target_semaphore(%run_scoped3A_12 : memref<!tpu.dma_semaphore, #tpu.memory_space<semaphore_mem>>)
          } else {
          }
        } else {
        }
      }
      %scan3A_63 = arith.constant 17 : i32
      %dma_wait3A = arith.constant 0 : i32
      %dma_wait3A_64 = tpu.memref_slice %arg5[%mul3A_21, %dma_wait3A] : memref<409600x128xf32, #tpu.memory_space<hbm>> -> memref<256x128xf32, #tpu.memory_space<hbm>>
      %dma_wait3A_65 = arith.constant 0 : i32
      %dma_wait3A_66 = tpu.memref_slice %arg5[%mul3A_21, %dma_wait3A_65] : memref<409600x128xf32, #tpu.memory_space<hbm>> -> memref<256x128xf32, #tpu.memory_space<hbm>>
      tpu.wait_dma2 semaphore(%run_scoped3A_14 : memref<!tpu.dma_semaphore, #tpu.memory_space<semaphore_mem>>) src(%run_scoped3A_5 : memref<256x128xf32, #tpu.memory_space<vmem>>) dst(%dma_wait3A_66 : memref<256x128xf32, #tpu.memory_space<hbm>>)
      %dma_wait3A_67 = arith.constant 0 : i32
      %dma_wait3A_68 = tpu.memref_slice %arg5[%mul3A_21, %dma_wait3A_67] : memref<409600x128xf32, #tpu.memory_space<hbm>> -> memref<256x128xf32, #tpu.memory_space<hbm>>
      %dma_wait3A_69 = arith.constant 0 : i32
      %dma_wait3A_70 = tpu.memref_slice %arg5[%mul3A_21, %dma_wait3A_69] : memref<409600x128xf32, #tpu.memory_space<hbm>> -> memref<256x128xf32, #tpu.memory_space<hbm>>
      tpu.wait_dma2 semaphore(%run_scoped3A_15 : memref<!tpu.dma_semaphore, #tpu.memory_space<semaphore_mem>>) src(%run_scoped3A_6 : memref<256x128xf32, #tpu.memory_space<vmem>>) dst(%dma_wait3A_70 : memref<256x128xf32, #tpu.memory_space<hbm>>)
      %dma_wait3A_71 = arith.constant 0 : i32
      %dma_wait3A_72 = tpu.memref_slice %arg5[%mul3A_21, %dma_wait3A_71] : memref<409600x128xf32, #tpu.memory_space<hbm>> -> memref<256x128xf32, #tpu.memory_space<hbm>>
      %dma_wait3A_73 = arith.constant 0 : i32
      %dma_wait3A_74 = tpu.memref_slice %arg5[%mul3A_21, %dma_wait3A_73] : memref<409600x128xf32, #tpu.memory_space<hbm>> -> memref<256x128xf32, #tpu.memory_space<hbm>>
      tpu.wait_dma2 semaphore(%run_scoped3A_16 : memref<!tpu.dma_semaphore, #tpu.memory_space<semaphore_mem>>) src(%run_scoped3A_7 : memref<256x128xf32, #tpu.memory_space<vmem>>) dst(%dma_wait3A_74 : memref<256x128xf32, #tpu.memory_space<hbm>>)
      tpu.yield
    }) : () -> ()
    return
  }
}

</mosaic_0001>

<sc_bundles>
// kernel: kernel.3.cloned.1.call-start
scs
__scs_entry_jumppad:
0x0: {  	(pc) =	sbr.rel $0x88, $3  }
0x1: {  	(tag) =	ssettag $0x0;
	lr =	simm.s32 $0x1  }
0x2: {  	[smem:$0x3F9E] =	sst lr;
	_ =	strace $0xD0000000  }
0x3: {  	_ = 	snop  }
0x4: {  	_ = 	snop  }
0x5: {  	_ = 	snop  }
0x6: {  	_ = 	snop  }
0x7: {  	_ = 	snop  }
__scs_overlays_trampoline_lowered:
0x8: {  	[smem:$0x3FAD] =	sst s0  }
0x9: {  	[smem:$0x3FAE] =	sst s1  }
0xa: {  	[smem:$0x3FAF] =	sst s2  }
0xb: {  	[smem:$0x3FB0] =	sst s3  }
0xc: {  	[smem:$0x3FB1] =	sst s4  }
0xd: {  	[smem:$0x3FB2] =	sst s5  }
0xe: {  	[smem:$0x3FB3] =	sst s6  }
0xf: {  	[smem:$0x3FB4] =	sst s7  }
0x10: {  	[smem:$0x3FB5] =	sst s8  }
0x11: {  	[smem:$0x3FB6] =	sst s9;
	s0 =	simm.s32 @!p0 $0x0  }
0x12: {  	s1 =	sld [smem:$0x3F9C];
	s0 =	simm.s32 @p0 $0x1  }
0x13: {  	[smem:$0x3FB7] =	sst s0;
	s0 =	simm.s32 @!p1 $0x0  }
0x14: {  	s2 =	sld [smem:$0x3F9B];
	s0 =	simm.s32 @p1 $0x1  }
0x15: {  	[smem:$0x3FB8] =	sst s0;
	s0 =	simm.s32 @!p2 $0x0  }
0x16: {  	s3 =	sld [smem:$0x3FDB];
	s0 =	simm.s32 @p2 $0x1  }
0x17: {  	s4 =	simm.s32 $0x1BF5;
	[smem:$0x3FBA] =	sst s0  }
0x18: {  	s0 =	sld [smem:$0x3F9D];
	_ =	swait.ge [sflag:s4], $0x0  }
0x19: {  	s7 =	sld [smem:$0x3F9E]  }
0x1a: {  	s8 =	sadd.s32 $0xFFFFE003, lr  }
0x1b: {  	s9 =	sadd.s32 $0xFFFFFEF7, lr;
	s5 =	simm.s32 $0xFFFFFFFF;
	p2 =	slt.u32 s8, $0xFFFFF086  }
0x1c: {  	p1 =	slt.u32 s9, $0xF7A;
	s5 =	simm.s32 @!p2 $0x0  }
0x1d: {  	s5 =	simm.s32 @p1 $0x1;
	p0 =	seq.s32 s7, s2  }
0x1e: {  	s7 =	smul.u32 @!p0 $0xF7A, s2;
	p2 =	seq.s32 @!p0 s5, $0x0  }
0x1f: {  	s9 =	smul.u32 $0xF7A, s1;
	s8 =	simm.s32 @!p0 $0x1BF5;
	p2 =	por !p2, p0  }
0x20: {  	[sflag:s8] =	ssyncset.s32 @!p0 $0xFFFFF086;
	s6 =	sadd.s32 @!p0 s3, s7;
	s7 =	simm.s32 @!p0 $0x108  }
0x21: {  	s3 =	sadd.s32 s3, s9;
	s6 =	sadd.s32 @!p0 $0x88, s6;
	s7 =	simm.s32 @p2 $0x1082  }
0x22: {  	[simem:s7], [sflag:s8] =	dma.local @!p0 [hbm:s6], $0xF7A  }
0x23: {  	s9 =	sor.u32 $0xD0000000, s2;
	s6 =	simm.s32 $0x108;
	_ =	swait.ge @!p0 [sflag:s8], $0x0  }
0x24: {  	s3 =	sadd.s32 $0x88, s3;
	s6 =	simm.s32 @!p1 $0x1082;
	[sflag:s4] =	ssyncset.s32 $0xFFFFF086  }
0x25: {  	[simem:s6], [sflag:s4] =	dma.local [hbm:s3], $0xF7A  }
0x26: {  	[smem:$0x3F9E] =	sst s1;
	(tag) =	ssettag s2;
	_ =	strace s9  }
0x27: {  	s1 =	sld [smem:$0x3FAE]  }
0x28: {  	s2 =	sld [smem:$0x3FAF]  }
0x29: {  	s4 =	sld [smem:$0x3FB1]  }
0x2a: {  	p0 =	seq.s32 s5, $0x0;
	s5 =	sld [smem:$0x3FB2]  }
0x2b: {  	s6 =	sld [smem:$0x3FB3]  }
0x2c: {  	s7 =	sld [smem:$0x3FB4]  }
0x2d: {  	s3 =	simm.s32 $0x108;
	s8 =	sld [smem:$0x3FB5]  }
0x2e: {  	s3 =	simm.s32 @!p0 $0x1082;
	s9 =	sld [smem:$0x3FB6]  }
0x2f: {  	lr =	sadd.s32 s0, s3;
	s0 =	sld [smem:$0x3FAD]  }
0x30: {  	s3 =	sld [smem:$0x3FB0]  }
0x31: {  	[smem:$0x3FB9] =	sst s10  }
0x32: {  	s10 =	sld [smem:$0x3FB7];
	_ =	sdelay $0x3  }
0x33: {  	p0 =	seq.s32 s10, $0x1;
	s10 =	sld [smem:$0x3FB9];
	_ =	sdelay $0x3  }
0x34: {  	[smem:$0x3FB9] =	sst s10  }
0x35: {  	s10 =	sld [smem:$0x3FB8];
	_ =	sdelay $0x3  }
0x36: {  	p1 =	seq.s32 s10, $0x1;
	s10 =	sld [smem:$0x3FB9];
	_ =	sdelay $0x3  }
0x37: {  	[smem:$0x3FB9] =	sst s10  }
0x38: {  	s10 =	sld [smem:$0x3FBA]  }
0x39: {  	_ = 	snop;
	(pc) =	sbr.ind lr, $3  }
0x3a: {  	_ = 	snop  }
0x3b: {  	_ = 	snop  }
0x3c: {  	p2 =	seq.s32 s10, $0x1;
	s10 =	sld [smem:$0x3FB9]  }
0x3d: {  	_ =	shalt  }
0x3e: {  	_ =	shalt  }
0x3f: {  	_ =	shalt  }
0x40: {  	_ =	shalt  }
0x41: {  	_ =	shalt  }
0x42: {  	_ =	shalt  }
0x43: {  	_ =	shalt  }
0x44: {  	_ =	shalt  }
0x45: {  	_ =	shalt  }
0x46: {  	_ =	shalt  }
0x47: {  	_ =	shalt  }
0x48: {  	_ =	shalt  }
0x49: {  	_ =	shalt  }
0x4a: {  	_ =	shalt  }
0x4b: {  	_ =	shalt  }
0x4c: {  	_ =	shalt  }
0x4d: {  	_ =	shalt  }
0x4e: {  	_ =	shalt  }
0x4f: {  	_ =	shalt  }
0x50: {  	_ =	shalt  }
0x51: {  	_ =	shalt  }
0x52: {  	_ =	shalt  }
0x53: {  	_ =	shalt  }
0x54: {  	_ =	shalt  }
0x55: {  	_ =	shalt  }
0x56: {  	_ =	shalt  }
0x57: {  	_ =	shalt  }
0x58: {  	_ =	shalt  }
0x59: {  	_ =	shalt  }
0x5a: {  	_ =	shalt  }
0x5b: {  	_ =	shalt  }
0x5c: {  	_ =	shalt  }
0x5d: {  	_ =	shalt  }
0x5e: {  	_ =	shalt  }
0x5f: {  	_ =	shalt  }
0x60: {  	_ =	shalt  }
0x61: {  	_ =	shalt  }
0x62: {  	_ =	shalt  }
0x63: {  	_ =	shalt  }
0x64: {  	_ =	shalt  }
0x65: {  	_ =	shalt  }
0x66: {  	_ =	shalt  }
0x67: {  	_ =	shalt  }
0x68: {  	_ =	shalt  }
0x69: {  	_ =	shalt  }
0x6a: {  	_ =	shalt  }
0x6b: {  	_ =	shalt  }
0x6c: {  	_ =	shalt  }
0x6d: {  	_ =	shalt  }
0x6e: {  	_ =	shalt  }
0x6f: {  	_ =	shalt  }
0x70: {  	_ =	shalt  }
0x71: {  	_ =	shalt  }
0x72: {  	_ =	shalt  }
0x73: {  	_ =	shalt  }
0x74: {  	_ =	shalt  }
0x75: {  	_ =	shalt  }
0x76: {  	_ =	shalt  }
0x77: {  	_ =	shalt  }
0x78: {  	_ =	shalt  }
0x79: {  	_ =	shalt  }
0x7a: {  	_ =	shalt  }
0x7b: {  	_ =	shalt  }
0x7c: {  	_ =	shalt  }
0x7d: {  	_ =	shalt  }
0x7e: {  	_ =	shalt  }
0x7f: {  	_ =	shalt  }
0x80: {  	_ =	shalt  }
0x81: {  	_ =	shalt  }
0x82: {  	_ =	shalt  }
0x83: {  	_ =	shalt  }
0x84: {  	_ =	shalt  }
0x85: {  	_ =	shalt  }
0x86: {  	_ =	shalt  }
0x87: {  	_ =	shalt  }
.Lfunc_end0:
.L_simem_size_0:
called_computation.1_lowered:
.L_overlay_start_0:
0x88: {  	s2 =	sld [smem:$0x3FD9]  }
0x89: {  	s3 =	sld [smem:$0x3FFE];
	_ =	sdelay $0x1  }
0x8a: {  	s1 =	srdreg.scid  }
0x8b: {  	s0 =	sand.u32 $0x1, s1  }
0x8c: {  	s17 =	sshll.u32 s0, $0xA;
	s2 =	sadd.s32 s3, s2  }
0x8d: {  	s2 =	sadd.s32 s2, s17  }
0x8e: {  	[smem:$0x3FC5] =	sst s2  }
0x8f: {  	_ = 	snop  }
0x90: {  	s2 =	sld [smem:$0x3FD0];
	(tm) =	ssettm $0x1  }
0x91: {  	s18 =	sld [smem:$0x3FFB];
	_ =	sdelay $0x3  }
0x92: {  	_ =	strace s18  }
0x93: {  	s3 =	sld [smem:$0x3FFC];
	_ =	sdelay $0x3  }
0x94: {  	_ =	strace s3  }
0x95: {  	s3 =	sld [smem:$0x3FFD];
	_ =	sdelay $0x3  }
0x96: {  	_ =	strace s3  }
0x97: {  	_ =	strace $0x8FFFFFFF  }
0x98: {  	s19 =	sld [smem:$0x3FDB];
	_ =	sdelay $0x1  }
0x99: {  	s4 =	simm.s32 $_scs_section_size  }
0x9a: {  	s5 =	simm.s32 $_size__tile_overlayer_lowered;
	s6 =	simm.s32 $_tile_overlayer_lowered  }
0x9b: {  	s22 =	simm.s32 $0x1BFF;
	s21 =	sshll.u32 s6, $0x1;
	s3 =	sadd.s32 s4, s19  }
0x9c: {  	s7 =	simm.s32 $0x0;
	s20 =	sshll.u32 s5, $0x1;
	s5 =	sadd.s32 s21, s3  }
0x9d: {  	[timem:s7], [sflag:s22] =	dma.local [hbm:s5], s20  }
0x9e: {  	_ =	swait.ge [sflag:s22], s20  }
0x9f: {  	s4 =	ssub.s32 $0x0, s20;
	[sflag:s22] =	ssyncset.done $0x0  }
0xa0: {  	[sflag:s22] =	ssyncadd.s32 s4;
	_ =	sdelay $0x1  }
0xa1: {  	s23 =	simm.s32 $0x1B8B  }
0xa2: {  	_ =	swait.ge [sflag:s23], $0x1  }
0xa3: {  	[sflag:s23] =	ssyncset.done $0x0  }
0xa4: {  	s25 =	simm.s32 $0x1B8E;
	s24 =	sld [smem:$0x3FFE];
	[sflag:s23] =	ssyncadd.s32 $0xFFFFFFFF  }
0xa5: {  	s26 =	simm.s32 $execute0_lowered;
	[smem:$0x3FD2] =	sst s25  }
0xa6: {  	s5 =	sshll.u32 s26, $0x1;
	_ =	strace $0x80000046;
	[dreg:$0x1] =	wrdreg $0xFFFFFFFF  }
0xa7: {  	s28 =	simm.s32 $_size_execute0_lowered;
	s3 =	sadd.s32 s3, s5;
	[dreg:$0x0] =	wrdreg $0x0  }
0xa8: {  	s5 =	sshll.u32 s28, $0x1;
	[dreg:$0x2] =	wrdreg s3  }
0xa9: {  	[dreg:$0x3] =	wrdreg s5  }
0xaa: {  	[dreg:$0x4] =	wrdreg $0xC0  }
0xab: {  	_ =	task [dreg:s7], $0x5FFFF  }
0xac: {  	[dreg:$0x1] =	wrdreg $0xFFFFFFFF  }
0xad: {  	[dreg:$0x0] =	wrdreg $0x60  }
0xae: {  	[dreg:$0x2] =	wrdreg s24  }
0xaf: {  	[dreg:$0x3] =	wrdreg s2  }
0xb0: {  	[dreg:$0x4] =	wrdreg $0x0  }
0xb1: {  	[dreg:$0x5] =	wrdreg $0x9  }
0xb2: {  	_ =	task.clear_ibuf [dreg:s7], $0x6FFFF;
	_ =	strace $0x90000046  }
0xb3: {  	s29 =	simm.s32 $0x9;
	_ =	strace $0x80000048  }
0xb4: {  	_ =	swait.ge [sflag:s29], $0x1  }
0xb5: {  	[sflag:s29] =	ssyncadd.s32 $0xFFFFFFFF  }
0xb6: {  	_ =	strace $0x90000048  }
0xb7: {  	_ =	sfence  }
0xb8: {  	s30 =	sld [smem:$0x0];
	_ =	sdelay $0x2  }
0xb9: {  	s31 =	sshll.u32 s1, $0xD;
	s1 =	sshrl.u32 s1, $0x2  }
0xba: {  	s3 =	sand.u32 $0x4000, s31;
	s1 =	sadd.s32 s1, s30  }
0xbb: {  	s0 =	sor.u32 s3, s0;
	s1 =	sshll.u32 s1, $0x11  }
0xbc: {  	s0 =	sor.u32 s1, s0  }
0xbd: {  	s0 =	sadd.s32 $0x8F2B, s0  }
0xbe: {  	[sflag:s0] =	ssyncadd.remote.s32 $0x1  }
0xbf: {  	_ =	sfence.sel $0xFFFF  }
0xc0: {  	[dreg:$0x0] =	wrdreg $0xFFFFFFFF;
	(pc) =	sbr.abs _section_cstart, $3  }
0xc1: {  	[dreg:$0x1] =	wrdreg $0xFFFFFFFF  }
0xc2: {  	_ =	task.clear_ibuf [dreg:s7], $0x2FFFF;
	_ =	strace $0x9FFFFFFF  }
0xc3: {  	(tm) =	ssettm $0x7FFFFFFF  }
tec
execute0_lowered:
.L_overlay_start_1:
0x0: {  	(tag) =	ssettag $0x1  }
0x1: {  	s0 =	rddreg [dreg:$0x0]  }
0x2: {  	s3 =	rddreg [dreg:$0x1]  }
0x3: {  	s1 =	rddreg [dreg:$0x2]  }
0x4: {  	s4 =	stileid.u32;
	s5 =	srdreg.scid;
	s2 =	simm.s32 $0x0  }
0x5: {  	s29 =	simm.s32 $0xA300;
	s30 =	simm.s32 $0x1;
	s31 =	simm.s32 $0x4  }
0x6: {  	s5 =	sand.u32 $0x1, s5;
	s6 =	sshll.u32 s4, $0x1;
	s7 =	smul.u32 $0x64000, s4  }
0x7: {  	[smem:$0x7FF] =	sst s2;
	s11 =	sadd.s32 $0xE00, s0;
	s18 =	smul.u32 $0x6400, s4  }
0x8: {  	s9 =	sadd.s32 $0xD600, s0;
	p0 =	sne.s32 s4, $0x0;
	s16 =	smul.u32 $0x32000, s5  }
0x9: {  	s6 =	sor.u32 s5, s6;
	s24 =	ssub.s32 $0x2, s5;
	s5 =	smul.u32 $0x3200, s5  }
0xa: {  	_ =	strace $0x80000047;
	[dreg:$0x4] =	wrdreg s9;
	s8 =	smul.u32 $0x3200, s6  }
0xb: {  	s0 =	sadd.s32 s7, s0;
	s10 =	sshrl.u32 s24, $0x1;
	s6 =	smul.u32 $0x32000, s6  }
0xc: {  	s9 =	ssub.s32 s24, s10;
	s22 =	sadd.s32 s5, s18;
	s0 =	sadd.s32 s16, s0  }
0xd: {  	s12 =	sshrl.u32 s8, $0x3;
	s25 =	sor.u32 $0x100, s8;
	s6 =	sadd.s32 s3, s6  }
0xe: {  	s8 =	sadd.s32 $0x200, s8;
	s21 =	smax.u32 s9, $0x1;
	s5 =	sadd.s32 $0x580, s22  }
0xf: {  	s23 =	sadd.s32 $0x500, s22;
	s24 =	sadd.s32 $0x480, s22;
	s9 =	simm.s32 $0x5  }
0x10: {  	s13 =	sadd.s32 s11, s12;
	s28 =	sshrl.u32 s25, $0x3;
	[dreg:$0x7] =	wrdreg s6  }
0x11: {  	s15 =	sshll.u32 s25, $0x4;
	s17 =	sshrl.u32 s8, $0x3;
	s19 =	sshll.u32 s8, $0x4  }
0x12: {  	[dreg:$0xe] =	wrdreg s21;
	s18 =	sshrl.u32 s23, $0x3;
	s25 =	sadd.s32 $0x400, s22  }
0x13: {  	s23 =	simm.s32 $0x2000;
	s26 =	sadd.s32 $0x10, s13;
	[dreg:$0x5] =	wrdreg s13  }
0x14: {  	s12 =	simm.s32 $0x2200;
	s10 =	sadd.s32 s11, s28;
	[dreg:$0x6] =	wrdreg s26  }
0x15: {  	s8 =	simm.s32 $0x2;
	s14 =	sadd.s32 $0x30, s13;
	[dreg:$0x8] =	wrdreg s10  }
0x16: {  	s6 =	sadd.s32 s3, s15;
	s20 =	sadd.s32 $0x50, s13;
	[dreg:$0x9] =	wrdreg s14  }
0x17: {  	s28 =	sadd.s32 $0x300, s22;
	[dreg:$0xa] =	wrdreg s6;
	s6 =	sadd.s32 s11, s17  }
0x18: {  	[dreg:$0xc] =	wrdreg s20;
	s17 =	sshrl.u32 s5, $0x3;
	s26 =	sadd.s32 $0x380, s22  }
0x19: {  	s20 =	sshrl.u32 s25, $0x3;
	[dreg:$0xf] =	wrdreg s28;
	s25 =	simm.s32 $0x2300  }
0x1a: {  	s10 =	simm.s32 $0x2080;
	s5 =	simm.s32 $0x0;
	[dreg:$0xb] =	wrdreg s6  }
0x1b: {  	s6 =	sadd.s32 s3, s19;
	s3 =	sadd.s32 s7, s3;
	s19 =	sshrl.u32 s24, $0x3  }
0x1c: {  	s21 =	sshrl.u32 s26, $0x3;
	s24 =	simm.s32 $0x2180;
	s26 =	simm.s32 $0x6300  }
0x1d: {  	s7 =	simm.s32 $0xB;
	[dreg:$0xd] =	wrdreg s6;
	s15 =	sadd.s32 s16, s3  }
0x1e: {  	s16 =	sadd.s32 $0x11600, s0;
	s0 =	simm.s32 $0x80;
	s6 =	simm.s32 $0xA  }
.LBB2_1:
0x1f: {  	[dreg:$0x10] =	wrdreg s5  }
0x20: {  	s3 =	sshrl.u32 @!p0 s1, $0x3;
	s5 =	simm.s32 @!p0 $0x1C0C;
	s4 =	rddreg [dreg:$0x4]  }
0x21: {  	[spmem:s3], [sflag:s5] =	dma.local @!p0 [hbm:s4], $0x4000  }
0x22: {  	s3 =	simm.s32 @!p0 $0xC  }
0x23: {  	_ =	swait.ge @!p0 [sflag:s3], $0x4000  }
0x24: {  	[sflag:s3] =	ssyncset.done @!p0 $0x0  }
0x25: {  	[sflag:s3] =	ssyncadd.s32 @!p0 $0xFFFFC000  }
0x26: {  	[bflag:$0x0] =	sbarrier.arrive $0xFFFF  }
0x27: {  	s13 =	rddreg [dreg:$0x5]  }
0x28: {  	s14 =	rddreg [dreg:$0x6]  }
0x29: {  	[tilespmem:s23], [sflag:$0x1] =	stream.linear.gather [hbm4b:s13+s2], $0x80, $0x38;
	[tilespmem:$0x1A300] =	vst v63  }
0x2a: {  	s22 =	rddreg [dreg:$0x7]  }
0x2b: {  	[tilespmem:s24], [sflag:$0x1] =	stream.linear.gather [hbm4b:s14+s2], $0x80, $0x38;
	[tilespmem:$0x1A300] =	vst v63  }
0x2c: {  	s28 =	rddreg [dreg:$0x8]  }
0x2d: {  	[tilespmem:s25], [sflag:$0x4] =	stream.linear.gather [hbm4b:s22+s2], $0x8000, $0x38;
	[tilespmem:$0x1A300] =	vst v63  }
0x2e: {  	s4 =	rddreg [dreg:$0x9]  }
0x2f: {  	[tilespmem:s10], [sflag:$0x2] =	stream.linear.gather [hbm4b:s28+s2], $0x80, $0x38;
	[tilespmem:$0x1A300] =	vst v63  }
0x30: {  	s5 =	rddreg [dreg:$0xa]  }
0x31: {  	[tilespmem:s12], [sflag:$0x2] =	stream.linear.gather [hbm4b:s4+s2], $0x80, $0x38;
	[tilespmem:$0x1A300] =	vst v63  }
0x32: {  	s13 =	rddreg [dreg:$0xc]  }
0x33: {  	[tilespmem:s29], [sflag:$0x5] =	stream.linear.gather [hbm4b:s5+s2], $0x8000, $0x38;
	[tilespmem:$0x1A300] =	vst v63  }
0x34: {  	s10 =	rddreg [dreg:$0xb];
	s12 =	simm.s32 $0x2100  }
0x35: {  	[tilespmem:s12], [sflag:$0x3] =	stream.linear.gather [hbm4b:s10+s2], $0x80, $0x38;
	[tilespmem:$0x1A300] =	vst v63  }
0x36: {  	s3 =	smov.u32 s11;
	s14 =	simm.s32 $0x2280;
	s22 =	rddreg [dreg:$0xd]  }
0x37: {  	[tilespmem:s14], [sflag:$0x3] =	stream.linear.gather [hbm4b:s13+s2], $0x80, $0x38;
	[tilespmem:$0x1A300] =	vst v63  }
0x38: {  	s28 =	simm.s32 $0x12300;
	s12 =	simm.s32 $0x0;
	s10 =	simm.s32 $0xE300  }
0x39: {  	[tilespmem:s28], [sflag:$0x6] =	stream.linear.gather [hbm4b:s22+s2], $0x8000, $0x38;
	[tilespmem:$0x1A300] =	vst v63  }
0x3a: {  	s14 =	simm.s32 $0xFFFFFFFF;
	s13 =	simm.s32 $0x0;
	s22 =	rddreg [dreg:$0xf]  }
.LBB2_2:
0x3b: {  	_ =	swait.ge [sflag:s30], $0x80  }
0x3c: {  	[sflag:s30] =	ssyncset.done $0x0  }
0x3d: {  	[sflag:s30] =	ssyncadd.s32 $0xFFFFFF80  }
0x3e: {  	_ =	swait.ge [sflag:s30], $0x80  }
0x3f: {  	[sflag:s30] =	ssyncset.done $0x0  }
0x40: {  	[sflag:s30] =	ssyncadd.s32 $0xFFFFFF80  }
0x41: {  	_ =	swait.ge [sflag:s31], $0x8000  }
0x42: {  	[sflag:s31] =	ssyncset.done $0x0  }
0x43: {  	[sflag:s31] =	ssyncadd.s32 $0xFFFF8000  }
0x44: {  	[tilespmem:s25], [sflag:$0xA] =	stream.indirect.gather.add.f32 [spmem:s1], $0x80, s23, s0, $0xb8;
	[tilespmem:$0x1A300] =	vst v63  }
0x45: {  	_ = 	snop  }
0x46: {  	[tilespmem:s26], [sflag:$0xB] =	stream.indirect.gather.add.f32 [spmem:s1], $0x80, s24, s0, $0xb8;
	[tilespmem:$0x1A300] =	vst v63  }
0x47: {  	_ =	swait.ge [sflag:s6], $0x4000  }
0x48: {  	[sflag:s6] =	ssyncset.done $0x0  }
0x49: {  	[sflag:s6] =	ssyncadd.s32 $0xFFFFC000  }
0x4a: {  	p1 =	seq.s32 s12, $0x30000;
	_ =	swait.ge [sflag:s7], $0x4000  }
0x4b: {  	s5 =	sshrl.u32 @!p1 s22, $0x3;
	[sflag:s7] =	ssyncset.done $0x0  }
0x4c: {  	p2 =	sgt.u32 @!p1 s14, $0x2E;
	s23 =	sadd.s32 s12, s16;
	[sflag:s7] =	ssyncadd.s32 $0xFFFFC000  }
0x4d: {  	[hbm4b:s23+s2] =	stream.linear.scatter [tilespmem:s25], [sflag:$0x7], $0x8000, $0x38;
	[tilespmem:$0x1A300] =	vst v63  }
0x4e: {  	s24 =	sadd.s32 @!p1 s11, s5;
	s5 =	simm.s32 @!p1 $0x0;
	s26 =	simm.s32 @!p1 $0x2000  }
0x4f: {  	[tilespmem:s26], [sflag:$0x1] =	stream.linear.gather @!p1 [hbm4b:s24+s5], $0x80, $0x38;
	[tilespmem:$0x1A300] =	vst v63  }
0x50: {  	p2 =	por p2, p1;
	s24 =	sadd.s32 @!p1 s3, s21;
	s26 =	simm.s32 @!p1 $0x2180  }
0x51: {  	[tilespmem:s26], [sflag:$0x1] =	stream.linear.gather @!p1 [hbm4b:s24+s5], $0x80, $0x38;
	[tilespmem:$0x1A300] =	vst v63  }
0x52: {  	s24 =	simm.s32 @!p2 $0x9  }
0x53: {  	_ =	swait.ge @!p2 [sflag:s24], $0x8000  }
0x54: {  	[sflag:s24] =	ssyncset.done @!p2 $0x0  }
0x55: {  	[sflag:s24] =	ssyncadd.s32 @!p2 $0xFFFF8000;
	s24 =	sadd.s32 @!p2 s12, s15  }
0x56: {  	s28 =	simm.s32 @!p2 $0x12300;
	s26 =	simm.s32 @!p2 $0x0;
	s24 =	sadd.s32 @!p2 $0x2000, s24  }
0x57: {  	[tilespmem:s28], [sflag:$0x6] =	stream.linear.gather @!p2 [hbm4b:s24+s26], $0x8000, $0x38;
	[tilespmem:$0x1A300] =	vst v63  }
0x58: {  	_ =	swait.ge [sflag:s8], $0x80  }
0x59: {  	[sflag:s8] =	ssyncset.done $0x0  }
0x5a: {  	[sflag:s8] =	ssyncadd.s32 $0xFFFFFF80  }
0x5b: {  	_ =	swait.ge [sflag:s8], $0x80  }
0x5c: {  	[sflag:s8] =	ssyncset.done $0x0  }
0x5d: {  	[sflag:s8] =	ssyncadd.s32 $0xFFFFFF80  }
0x5e: {  	_ =	swait.ge [sflag:s9], $0x8000  }
0x5f: {  	[sflag:s9] =	ssyncset.done $0x0  }
0x60: {  	s4 =	simm.s32 $0x2080;
	[sflag:s9] =	ssyncadd.s32 $0xFFFF8000  }
0x61: {  	[tilespmem:s29], [sflag:$0xA] =	stream.indirect.gather.add.f32 [spmem:s1], $0x80, s4, s0, $0xb8;
	[tilespmem:$0x1A300] =	vst v63  }
0x62: {  	s28 =	simm.s32 $0x2200  }
0x63: {  	[tilespmem:s10], [sflag:$0xB] =	stream.indirect.gather.add.f32 [spmem:s1], $0x80, s28, s0, $0xb8;
	[tilespmem:$0x1A300] =	vst v63  }
0x64: {  	_ =	swait.ge [sflag:s6], $0x4000  }
0x65: {  	[sflag:s6] =	ssyncset.done $0x0  }
0x66: {  	[sflag:s6] =	ssyncadd.s32 $0xFFFFC000  }
0x67: {  	_ =	swait.ge [sflag:s7], $0x4000  }
0x68: {  	[sflag:s7] =	ssyncset.done $0x0  }
0x69: {  	s23 =	sadd.s32 $0x1000, s23;
	[sflag:s7] =	ssyncadd.s32 $0xFFFFC000  }
0x6a: {  	[hbm4b:s23+s2] =	stream.linear.scatter [tilespmem:s29], [sflag:$0x8], $0x8000, $0x38;
	[tilespmem:$0x1A300] =	vst v63  }
0x6b: {  	s24 =	simm.s32 @!p1 $0x2080;
	s23 =	sadd.s32 @!p1 s3, s20  }
0x6c: {  	[tilespmem:s24], [sflag:$0x2] =	stream.linear.gather @!p1 [hbm4b:s23+s5], $0x80, $0x38;
	[tilespmem:$0x1A300] =	vst v63  }
0x6d: {  	s23 =	sadd.s32 @!p1 s3, s19;
	s24 =	simm.s32 @!p1 $0x2200  }
0x6e: {  	[tilespmem:s24], [sflag:$0x2] =	stream.linear.gather @!p1 [hbm4b:s23+s5], $0x80, $0x38;
	[tilespmem:$0x1A300] =	vst v63  }
0x6f: {  	s23 =	simm.s32 @!p1 $0x7  }
0x70: {  	_ =	swait.ge @!p1 [sflag:s23], $0x8000  }
0x71: {  	s24 =	sadd.s32 @!p1 s12, s15;
	[sflag:s23] =	ssyncset.done @!p1 $0x0  }
0x72: {  	s26 =	simm.s32 @!p1 $0x2300;
	[sflag:s23] =	ssyncadd.s32 @!p1 $0xFFFF8000;
	s23 =	sadd.s32 @!p1 $0x3000, s24  }
0x73: {  	[tilespmem:s26], [sflag:$0x4] =	stream.linear.gather @!p1 [hbm4b:s23+s5], $0x8000, $0x38;
	[tilespmem:$0x1A300] =	vst v63  }
0x74: {  	s23 =	simm.s32 @!p1 $0x3  }
0x75: {  	_ =	swait.ge @!p1 [sflag:s23], $0x80  }
0x76: {  	[sflag:s23] =	ssyncset.done @!p1 $0x0  }
0x77: {  	[sflag:s23] =	ssyncadd.s32 @!p1 $0xFFFFFF80  }
0x78: {  	_ =	swait.ge @!p1 [sflag:s23], $0x80  }
0x79: {  	[sflag:s23] =	ssyncset.done @!p1 $0x0  }
0x7a: {  	[sflag:s23] =	ssyncadd.s32 @!p1 $0xFFFFFF80;
	s23 =	simm.s32 @!p1 $0x6  }
0x7b: {  	_ =	swait.ge @!p1 [sflag:s23], $0x8000  }
0x7c: {  	s28 =	simm.s32 @!p1 $0x12300;
	[sflag:s23] =	ssyncset.done @!p1 $0x0  }
0x7d: {  	s26 =	simm.s32 @!p1 $0x2100;
	[sflag:s23] =	ssyncadd.s32 @!p1 $0xFFFF8000;
	s23 =	simm.s32 @!p1 $0x80  }
0x7e: {  	[tilespmem:s28], [sflag:$0xA] =	stream.indirect.gather.add.f32 @!p1 [spmem:s1], $0x80, s26, s23, $0xb8;
	[tilespmem:$0x1A300] =	vst v63  }
0x7f: {  	s4 =	simm.s32 @!p1 $0x16300;
	s26 =	simm.s32 @!p1 $0x2280  }
0x80: {  	[tilespmem:s4], [sflag:$0xB] =	stream.indirect.gather.add.f32 @!p1 [spmem:s1], $0x80, s26, s23, $0xb8;
	[tilespmem:$0x1A300] =	vst v63  }
0x81: {  	s4 =	simm.s32 @!p1 $0xA  }
0x82: {  	_ =	swait.ge @!p1 [sflag:s4], $0x4000  }
0x83: {  	[sflag:s4] =	ssyncset.done @!p1 $0x0  }
0x84: {  	[sflag:s4] =	ssyncadd.s32 @!p1 $0xFFFFC000;
	s4 =	simm.s32 @!p1 $0xB  }
0x85: {  	_ =	swait.ge @!p1 [sflag:s4], $0x4000  }
0x86: {  	p2 =	sgt.u32 @!p1 s13, $0xE;
	s23 =	sadd.s32 @!p1 s12, s16;
	[sflag:s4] =	ssyncset.done @!p1 $0x0  }
0x87: {  	p2 =	por p2, p1;
	[sflag:s4] =	ssyncadd.s32 @!p1 $0xFFFFC000;
	s4 =	sadd.s32 @!p1 $0x2000, s23  }
0x88: {  	[hbm4b:s4+s5] =	stream.linear.scatter @!p1 [tilespmem:s28], [sflag:$0x9], $0x8000, $0x38;
	[tilespmem:$0x1A300] =	vst v63  }
0x89: {  	s26 =	simm.s32 @!p2 $0x2100;
	s23 =	simm.s32 @!p2 $0x0;
	s4 =	sadd.s32 @!p2 s3, s18  }
0x8a: {  	[tilespmem:s26], [sflag:$0x3] =	stream.linear.gather @!p2 [hbm4b:s4+s23], $0x80, $0x38;
	[tilespmem:$0x1A300] =	vst v63  }
0x8b: {  	s12 =	sadd.s32 @!p1 $0x3000, s12;
	s4 =	sadd.s32 @!p2 s3, s17;
	s26 =	simm.s32 @!p2 $0x2280  }
0x8c: {  	[tilespmem:s26], [sflag:$0x3] =	stream.linear.gather @!p2 [hbm4b:s4+s23], $0x80, $0x38;
	[tilespmem:$0x1A300] =	vst v63  }
0x8d: {  	p2 =	sne.s32 @!p1 s12, $0x33000  }
0x8e: {  	s14 =	sadd.s32 @!p1 $0x3, s14;
	s4 =	simm.s32 @!p1 $0x8;
	p2 =	por p1, !p2  }
.Ltmp0:
0x8f: {  	s22 =	sadd.s32 @!p1 $0x300, s22;
	_ =	swait.ge @!p1 [sflag:s4], $0x8000;
	(pc) =	sbr.rel @!p2 .LBB2_2-.Ltmp0, $4  }
0x90: {  	s13 =	sadd.s32 @!p1 $0x1, s13;
	s3 =	sadd.s32 @!p1 $0x60, s3;
	[sflag:s4] =	ssyncset.done @!p1 $0x0  }
0x91: {  	s23 =	simm.s32 @!p1 $0xA300;
	[sflag:s4] =	ssyncadd.s32 @!p1 $0xFFFF8000;
	s4 =	sadd.s32 @!p1 $0x4000, s24  }
0x92: {  	[tilespmem:s23], [sflag:$0x5] =	stream.linear.gather @!p1 [hbm4b:s4+s5], $0x8000, $0x38;
	[tilespmem:$0x1A300] =	vst v63  }
0x93: {  	s26 =	simm.s32 $0x6300;
	s24 =	simm.s32 $0x2180;
	s23 =	simm.s32 $0x2000  }
0x94: {  	s3 =	simm.s32 $0x7  }
0x95: {  	_ =	swait.ge [sflag:s3], $0x8000  }
0x96: {  	[sflag:s3] =	ssyncset.done $0x0  }
0x97: {  	s22 =	simm.s32 $0x8;
	[sflag:s3] =	ssyncadd.s32 $0xFFFF8000  }
0x98: {  	_ =	swait.ge [sflag:s22], $0x8000  }
0x99: {  	[sflag:s22] =	ssyncset.done $0x0  }
0x9a: {  	s4 =	simm.s32 $0x9;
	[sflag:s22] =	ssyncadd.s32 $0xFFFF8000  }
0x9b: {  	_ =	swait.ge [sflag:s4], $0x8000  }
0x9c: {  	s5 =	rddreg [dreg:$0x10]  }
0x9d: {  	s28 =	rddreg [dreg:$0xe];
	s5 =	sadd.s32 $0x1, s5  }
0x9e: {  	p1 =	sne.s32 s5, s28  }
.Ltmp1:
0x9f: {  	_ = 	snop;
	(pc) =	sbr.rel @p1 .LBB2_1-.Ltmp1, $3  }
0xa0: {  	_ =	sdelay $0x1  }
0xa1: {  	[sflag:s4] =	ssyncset.done $0x0  }
0xa2: {  	s10 =	simm.s32 $0x2080;
	s12 =	simm.s32 $0x2200;
	[sflag:s4] =	ssyncadd.s32 $0xFFFF8000  }
0xa3: {  	_ =	sfence.sel $0x180000  }
0xa4: {  	[bflag:$0x0] =	sbarrier.arrive $0xFFFF  }
0xa5: {  	_ =	strace $0x90000047  }
0xa6: {  	[bflag:$0x2] =	sbarrier.arrive $0xFFFF  }
0xa7: {  	s0 =	rddreg [dreg:$0x3]  }
0xa8: {  	s0 =	sadd.s32 @!p0 $0x100000, s0  }
0xa9: {  	[sflag:s0] =	ssyncadd.tile.s32 @!p0 $0x1;
	_ =	shalt  }
.Lfunc_end2:
_tile_overlayer_lowered:
.L_overlay_start_2:
0xaa: {  	(tag) =	ssettag $0x2  }
0xab: {  	s0 =	rddreg [dreg:$0x0];
	s2 =	stileid.u32  }
0xac: {  	s1 =	rddreg [dreg:$0x1];
	p0 =	sne.s32 s2, $0x0  }
0xad: {  	s3 =	rddreg [dreg:$0x2];
	[bflag:$0x3] =	sbarrier.arrive $0xFFFF;
	s2 =	simm.s32 @!p0 $0x1C01  }
0xae: {  	[timem:s3], [sflag:s2] =	dma.local @!p0 [hbm:s0], s1  }
0xaf: {  	s0 =	simm.s32 @!p0 $0x1  }
0xb0: {  	_ =	swait.ge @!p0 [sflag:s0], s1  }
0xb1: {  	s1 =	ssub.s32 @!p0 $0x0, s1;
	[sflag:s0] =	ssyncset.done @!p0 $0x0  }
0xb2: {  	[sflag:s0] =	ssyncadd.s32 @!p0 s1  }
0xb3: {  	[bflag:$0x3] =	sbarrier.arrive $0xFFFF  }
0xb4: {  	_ =	shalt  }

// kernel: sparse-core-data-format-call.cloned.1.call-start
scs
called_computation_lowered:
.L_overlay_start_0:
0x0: {  	s2 =	sld [smem:$0x3FD9]  }
0x1: {  	s3 =	sld [smem:$0x3FFE];
	_ =	sdelay $0x1  }
0x2: {  	s1 =	srdreg.scid  }
0x3: {  	s0 =	sand.u32 $0x1, s1  }
0x4: {  	s18 =	sshll.u32 s0, $0xA;
	s2 =	sadd.s32 s3, s2  }
0x5: {  	s2 =	sadd.s32 s2, s18  }
0x6: {  	[smem:$0x3FC5] =	sst s2  }
0x7: {  	_ = 	snop  }
0x8: {  	s2 =	sld [smem:$0x3FD0];
	(tm) =	ssettm $0x1  }
0x9: {  	s19 =	sld [smem:$0x3FFB];
	_ =	sdelay $0x3  }
0xa: {  	_ =	strace s19  }
0xb: {  	s3 =	sld [smem:$0x3FFC];
	_ =	sdelay $0x3  }
0xc: {  	_ =	strace s3  }
0xd: {  	s3 =	sld [smem:$0x3FFD];
	_ =	sdelay $0x3  }
0xe: {  	_ =	strace s3  }
0xf: {  	_ =	strace $0x8FFFFFFF  }
0x10: {  	s20 =	sld [smem:$0x3FDB];
	_ =	sdelay $0x1  }
0x11: {  	s4 =	simm.s32 $_scs_section_size  }
0x12: {  	s5 =	simm.s32 $_size__tile_overlayer_lowered;
	s6 =	simm.s32 $_tile_overlayer_lowered  }
0x13: {  	s23 =	simm.s32 $0x1BFF;
	s22 =	sshll.u32 s6, $0x1;
	s3 =	sadd.s32 s4, s20  }
0x14: {  	s7 =	simm.s32 $0x0;
	s21 =	sshll.u32 s5, $0x1;
	s5 =	sadd.s32 s22, s3  }
0x15: {  	[timem:s7], [sflag:s23] =	dma.local [hbm:s5], s21  }
0x16: {  	_ =	swait.ge [sflag:s23], s21  }
0x17: {  	s4 =	ssub.s32 $0x0, s21;
	[sflag:s23] =	ssyncset.done $0x0  }
0x18: {  	[sflag:s23] =	ssyncadd.s32 s4;
	_ =	sdelay $0x1  }
0x19: {  	s24 =	simm.s32 $0x1B8B  }
0x1a: {  	_ =	swait.ge [sflag:s24], $0x1  }
0x1b: {  	[sflag:s24] =	ssyncset.done $0x0  }
0x1c: {  	s26 =	simm.s32 $0x1B8E;
	s25 =	sld [smem:$0x3FFE];
	[sflag:s24] =	ssyncadd.s32 $0xFFFFFFFF  }
0x1d: {  	s27 =	simm.s32 $execute0_lowered;
	[smem:$0x3FD2] =	sst s26  }
0x1e: {  	s5 =	sshll.u32 s27, $0x1;
	_ =	strace $0x80000049;
	[dreg:$0x1] =	wrdreg $0xFFFFFFFF  }
0x1f: {  	s28 =	simm.s32 $_size_execute0_lowered;
	s3 =	sadd.s32 s3, s5;
	[dreg:$0x0] =	wrdreg $0x0  }
0x20: {  	s5 =	sshll.u32 s28, $0x1;
	[dreg:$0x2] =	wrdreg s3  }
0x21: {  	[dreg:$0x3] =	wrdreg s5  }
0x22: {  	[dreg:$0x4] =	wrdreg $0xC0  }
0x23: {  	_ =	task [dreg:s7], $0x5FFFF  }
0x24: {  	[dreg:$0x1] =	wrdreg $0xFFFFFFFF  }
0x25: {  	[dreg:$0x0] =	wrdreg $0x60  }
0x26: {  	[dreg:$0x2] =	wrdreg s25  }
0x27: {  	[dreg:$0x3] =	wrdreg s2  }
0x28: {  	[dreg:$0x4] =	wrdreg $0x9  }
0x29: {  	_ =	task.clear_ibuf [dreg:s7], $0x5FFFF;
	_ =	strace $0x90000049  }
0x2a: {  	s29 =	simm.s32 $0x9;
	_ =	strace $0x8000004B  }
0x2b: {  	_ =	swait.ge [sflag:s29], $0x1  }
0x2c: {  	[sflag:s29] =	ssyncadd.s32 $0xFFFFFFFF  }
0x2d: {  	_ =	strace $0x9000004B  }
0x2e: {  	_ =	sfence  }
0x2f: {  	s30 =	sld [smem:$0x0];
	_ =	sdelay $0x2  }
0x30: {  	s31 =	sshll.u32 s1, $0xD;
	s1 =	sshrl.u32 s1, $0x2  }
0x31: {  	s3 =	sand.u32 $0x4000, s31;
	s1 =	sadd.s32 s1, s30  }
0x32: {  	s0 =	sor.u32 s3, s0;
	s1 =	sshll.u32 s1, $0x11  }
0x33: {  	s0 =	sor.u32 s1, s0  }
0x34: {  	s0 =	sadd.s32 $0x8F2B, s0  }
0x35: {  	[sflag:s0] =	ssyncadd.remote.s32 $0x1  }
0x36: {  	_ =	sfence.sel $0xFFFF  }
0x37: {  	[dreg:$0x0] =	wrdreg $0xFFFFFFFF;
	(pc) =	sbr.abs _section_cstart, $3  }
0x38: {  	[dreg:$0x1] =	wrdreg $0xFFFFFFFF  }
0x39: {  	_ =	task.clear_ibuf [dreg:s7], $0x2FFFF;
	_ =	strace $0x9FFFFFFF  }
0x3a: {  	(tm) =	ssettm $0x7FFFFFFF  }
0x3b: {  	_ =	shalt  }
tec
execute0_lowered:
.L_overlay_start_1:
0x0: {  	(tag) =	ssettag $0x1  }
0x1: {  	s0 =	srdreg.scid  }
0x2: {  	s1 =	sshll.u32 s0, $0x4  }
0x3: {  	s0 =	stileid.u32;
	s1 =	sand.u32 $0x10, s1  }
0x4: {  	s1 =	sor.u32 s0, s1  }
0x5: {  	s6 =	rddreg [dreg:$0x0];
	s4 =	simm.s32 $0x1;
	s2 =	sshll.u32 s1, $0x7  }
0x6: {  	s7 =	simm.s32 $0x2;
	s12 =	simm.s32 $0x0;
	s1 =	ssub.s32 $0x1000, s2  }
0x7: {  	s8 =	simm.s32 $0x8000;
	s13 =	simm.s32 $0x0;
	s3 =	sand.u32 $0xF80, s1  }
0x8: {  	s9 =	simm.s32 $0x0;
	s5 =	sshrl.u32 s1, $0xC;
	p0 =	sne.s32 s3, $0x0  }
.Ltmp0:
0x9: {  	s1 =	rddreg [dreg:$0x2];
	s4 =	simm.s32 @!p0 $0x0;
	(pc) =	sbr.rel .LBB1_1-.Ltmp0, $4  }
0xa: {  	s11 =	simm.s32 $0x0;
	s3 =	rddreg [dreg:$0x1];
	s5 =	sadd.s32 s4, s5  }
0xb: {  	_ =	strace $0x8000004A;
	s4 =	simm.s32 $0x1;
	s5 =	smul.u32 $0xC8, s5  }
0xc: {  	s6 =	sadd.s32 $0x651600, s6;
	s10 =	smov.u32 s2;
	[sflag:s4] =	ssyncpa.u1 $0x0  }
0xd: {  	p0 =	por $0x0, $0x0;
	[sflag:s7] =	ssyncpa.u1 $0x0;
	s7 =	sor.u32 $0x1, s5  }
.LBB1_4:
0xe: {  	s16 =	sshll.u32 s13, $0x3;
	s17 =	sand.u32 $0x78, s13  }
0xf: {  	s30 =	sand.u32 $0x7E00, s13;
	s12 =	sshll.u32 s12, $0xF;
	s16 =	sand.u32 $0xC00, s16  }
0x10: {  	[tilespmem:s15+$0x810 ss:$0x81] =	vst.msk $0xffff, v2;
	s31 =	sand.u32 $0x7, s13;
	s16 =	sor.u32 s17, s16;
	s17 =	sadd.s32 s3, s30  }
0x11: {  	[tilespmem:s15+$0x1020 ss:$0x81] =	vst.msk $0xffff, v0;
	s13 =	sshll.u32 s31, $0x12;
	s12 =	sadd.s32 s12, s17;
	s16 =	sshrl.u32 s16, $0x3  }
0x12: {  	[tilespmem:s15+$0x0 ss:$0x81] =	vst.msk $0xffff, v1;
	s13 =	sor.u32 $0x400, s13;
	s12 =	sadd.s32 s16, s12  }
0x13: {  	[hbm4b:s12+s13] =	stream.strided.scatter [tilespmem:s14], [sflag:$0x2], $0x2000, s8, s13, $0x20;
	[tilespmem:$0x8080] =	vst v63  }
.LBB1_5:
0x14: {  	s14 =	sadd.s32 $0x1, s9  }
0x15: {  	s12 =	sadd.s32 $0x1000, s10;
	s16 =	smov.u32 s10;
	p2 =	sgt.s32 s14, $0xC7  }
0x16: {  	s16 =	smov.u32 @p2 s12  }
0x17: {  	s14 =	simm.s32 @p2 $0x0;
	p2 =	sgt.s32 s16, $0xFFF  }
0x18: {  	s16 =	smov.u32 @p2 s2;
	p2 =	sne.s32 s11, s7  }
.Ltmp1:
0x19: {  	p1 =	slt.u32 s11, $0x2;
	(pc) =	sbr.rel @!p2 .LBB1_6-.Ltmp1, $4  }
0x1a: {  	s15 =	simm.s32 @!p1 $0x2  }
0x1b: {  	s13 =	smov.u32 s10;
	p0 =	por !p0, !p0;
	_ =	swait.ge @!p1 [sflag:s15], $0x2000  }
0x1c: {  	s12 =	smov.u32 s9;
	[sflag:s15] =	ssyncset.done @!p1 $0x0;
	s9 =	smov.u32 s14  }
0x1d: {  	s11 =	sadd.s32 $0x1, s11;
	[sflag:s15] =	ssyncadd.s32 @!p1 $0xFFFFE000;
	s10 =	smov.u32 s16  }
.LBB1_1:
0x1e: {  	p1 =	sge.u32 s11, s5  }
0x1f: {  	s14 =	sand.u32 @!p1 $0x1FFFFFF, s9  }
0x20: {  	s15 =	smulhi.u32 @!p1 $0x147AE15, s14;
	_ =	sdelay $0x1  }
0x21: {  	s15 =	smul.u32 @!p1 $0xC8, s15  }
0x22: {  	s16 =	sxor.u32 @!p1 $0xFFFFFFFF, s11;
	s17 =	smul.u32 @!p1 $0xC80, s10  }
0x23: {  	s31 =	sadd.s32 $0xFFFFFFFF, s11;
	s16 =	sshll.u32 @!p1 s16, $0xD;
	s14 =	ssub.s32 @!p1 s14, s15  }
0x24: {  	s15 =	sand.u32 @!p1 $0x2000, s16;
	s16 =	sadd.s32 @!p1 s6, s17;
	s14 =	sshll.u32 @!p1 s14, $0x4  }
0x25: {  	s17 =	simm.s32 @!p1 $0x6400;
	s14 =	sadd.s32 @!p1 s14, s16;
	s16 =	simm.s32 @!p1 $0x40  }
0x26: {  	[tilespmem:s15], [sflag:$0x1] =	stream.strided.gather @!p1 [hbm4b:s14+s16], $0x2000, s17, s16, $0x38;
	[tilespmem:$0x8080] =	vst v63  }
0x27: {  	p1 =	sge.u32 s31, s5  }
.Ltmp2:
0x28: {  	_ = 	snop;
	(pc) =	sbr.rel @p1 .LBB1_5-.Ltmp2, $1  }
0x29: {  	_ =	sdelay $0x3  }
0x2a: {  	s14 =	simm.s32 $0x1  }
0x2b: {  	_ =	swait.ge [sflag:s4], $0x2000;
	s14 =	simm.s32 @!p0 $0x0  }
0x2c: {  	[sflag:s4] =	ssyncset.done $0x0;
	s15 =	sshll.u32 s14, $0xD  }
0x2d: {  	[sflag:s4] =	ssyncadd.s32 $0xFFFFE000;
	s18 =	sor.u32 $0x20, s15  }
0x2e: {  	s14 =	smul.u32 $0x8100, s14;
	v3 =	vld [tilespmem:s18+$0x10]  }
0x2f: {  	s30 =	sand.u32 $0x1, s11;
	v2 =	vld [tilespmem:s18+$0xFFFFFFF0]  }
0x30: {  	s15 =	smul.u32 $0x8100, s30;
	s14 =	sshrl.u32 s14, $0x2;
	v0 =	vld [tilespmem:s18+$0x0]  }
0x31: {  	v1 =	vld [tilespmem:s18+$0xFFFFFFE0];
	s16 =	sor.u32 $0x4000, s14  }
0x32: {  	s31 =	sshrl.u32 s15, $0x2;
	s15 =	sadd.s32 $0x0, s16  }
0x33: {  	s17 =	simm.s32 $0x4;
	s18 =	sadd.s32 $0x40, s18;
	s14 =	sor.u32 $0x4000, s31;
	[tilespmem:s15+$0x1830 ss:$0x81] =	vst.msk $0xffff, v3  }
.LBB1_3:
0x34: {  	v3 =	vld [tilespmem:s18+$0x10];
	p1 =	sne.s32 s17, $0x1FC;
	[tilespmem:s15+$0x810 ss:$0x81] =	vst.msk $0xffff, v2;
	s19 =	smov.u32 s17;
	s17 =	sadd.s32 $0x4, s17  }
.Ltmp3:
0x35: {  	v2 =	vld [tilespmem:s18+$0xFFFFFFF0];
	[tilespmem:s15+$0x1020 ss:$0x81] =	vst.msk $0xffff, v0;
	(pc) =	sbr.rel @p1 .LBB1_3-.Ltmp3, $4  }
0x36: {  	v0 =	vld [tilespmem:s18+$0x0];
	[tilespmem:s15+$0x0 ss:$0x81] =	vst.msk $0xffff, v1  }
0x37: {  	s15 =	sshra.s32 s19, $0x2;
	v1 =	vld [tilespmem:s18+$0xFFFFFFE0]  }
0x38: {  	s15 =	sadd.s32 s15, s16  }
0x39: {  	s18 =	sadd.s32 $0x40, s18;
	[tilespmem:s15+$0x1830 ss:$0x81] =	vst.msk $0xffff, v3  }
.Ltmp4:
0x3a: {  	_ = 	snop;
	(pc) =	sbr.rel .LBB1_4-.Ltmp4, $1  }
0x3b: {  	_ =	sdelay $0x3  }
.LBB1_6:
0x3c: {  	_ =	sfence.sel $0x180000  }
0x3d: {  	s2 =	simm.s32 $0x1;
	[bflag:$0x0] =	sbarrier.arrive $0xFFFF  }
0x3e: {  	s31 =	simm.s32 $0x2;
	[sflag:s2] =	ssyncpa.u1 $0x1  }
0x3f: {  	[sflag:s31] =	ssyncpa.u1 $0x1  }
0x40: {  	p0 =	sne.s32 s0, $0x0;
	_ =	strace $0x9000004A  }
0x41: {  	s0 =	sadd.s32 @!p0 $0x100000, s1;
	[bflag:$0x2] =	sbarrier.arrive $0xFFFF  }
0x42: {  	[sflag:s0] =	ssyncadd.tile.s32 @!p0 $0x1;
	_ =	shalt  }
.Lfunc_end1:
_tile_overlayer_lowered:
.L_overlay_start_2:
0x43: {  	(tag) =	ssettag $0x2  }
0x44: {  	s0 =	rddreg [dreg:$0x0];
	s2 =	stileid.u32  }
0x45: {  	s1 =	rddreg [dreg:$0x1];
	p0 =	sne.s32 s2, $0x0  }
0x46: {  	s3 =	rddreg [dreg:$0x2];
	[bflag:$0x3] =	sbarrier.arrive $0xFFFF;
	s2 =	simm.s32 @!p0 $0x1C01  }
0x47: {  	[timem:s3], [sflag:s2] =	dma.local @!p0 [hbm:s0], s1  }
0x48: {  	s0 =	simm.s32 @!p0 $0x1  }
0x49: {  	_ =	swait.ge @!p0 [sflag:s0], s1  }
0x4a: {  	s1 =	ssub.s32 @!p0 $0x0, s1;
	[sflag:s0] =	ssyncset.done @!p0 $0x0  }
0x4b: {  	[sflag:s0] =	ssyncadd.s32 @!p0 s1  }
0x4c: {  	[bflag:$0x3] =	sbarrier.arrive $0xFFFF  }
0x4d: {  	_ =	shalt  }

</sc_bundles>
